<compile_context>
chip_gen: v7x
topology: tpu7x:2x2x1
jax: 0.10.2.dev20260603
libtpu: 0.0.44.dev20260713+nightly
codegen_flags: <defaults>
</compile_context>

<pallas_src>
import jax
import jax.numpy as jnp
from jax import lax
from jax.experimental import pallas as pl
from jax.experimental.pallas import tpu as pltpu
from jax.experimental.pallas import tpu_sc as plsc

NUM_TIMESTEPS = 1000
DECAY = 0.9
UNIFORM_PROB = 0.01
BATCH = 1048576

NTP = 1024
NC, NS, L = 2, 16, 16
NW = NC * NS
CHUNK = BATCH // NW
ITERS = CHUNK // L
BPT = 128


def _sc_body(t_hbm, loss_hbm, pos_out, cnt_out, val_out,
             idx_v, posf, cntf, sh_pos, sh_cnt,
             tmp_pos, tmp_cnt, pos_res, cnt_res, gidx, gval, sem):
    c = lax.axis_index("c")
    s = lax.axis_index("s")
    wid = s * NC + c
    base = wid * CHUNK

    in_dma = pltpu.async_copy(
        t_hbm.at[pl.ds(pl.multiple_of(base, CHUNK), CHUNK)], idx_v, sem)

    lanes = lax.broadcasted_iota(jnp.int32, (L,), 0)
    neg1 = jnp.full((L,), -1, jnp.int32)
    zero = jnp.zeros((L,), jnp.int32)
    ones = jnp.full((L,), 1, jnp.int32)

    IU = 8

    def init(j, carry):
        off = pl.multiple_of(j * (L * IU), L * IU)
        for u in range(IU):
            posf[pl.ds(off + u * L, L)] = neg1
            cntf[pl.ds(off + u * L, L)] = zero
        return carry

    lax.fori_loop(0, NTP // (L * IU), init, None)

    in_dma.wait()

    base_v = jnp.full((L,), base, jnp.int32) + lanes
    SU = 8

    def scat(j, carry):
        off = pl.multiple_of(j * (L * SU), L * SU)
        for u in range(SU):
            t = idx_v[pl.ds(off + u * L, L)]
            pos = base_v + (off + u * L)
            plsc.store_scatter(posf, [t], pos)
            plsc.addupdate_scatter(cntf, [t], ones)
        return carry

    lax.fori_loop(0, ITERS // SU, scat, None)

    pltpu.sync_copy(posf, sh_pos.at[s])
    pltpu.sync_copy(cntf, sh_cnt.at[s])
    plsc.subcore_barrier()

    @pl.when(s < NTP // BPT)
    def _merge():
        b0 = pl.multiple_of(s * BPT, BPT)
        pltpu.sync_copy(sh_pos.at[:, pl.ds(b0, BPT)], tmp_pos)
        pltpu.sync_copy(sh_cnt.at[:, pl.ds(b0, BPT)], tmp_cnt)

        for jj in range(BPT // L):
            p = tmp_pos[0, pl.ds(jj * L, L)]
            q = tmp_cnt[0, pl.ds(jj * L, L)]
            for r in range(1, NS):
                p = jnp.maximum(p, tmp_pos[r, pl.ds(jj * L, L)])
                q = q + tmp_cnt[r, pl.ds(jj * L, L)]
            pos_res[pl.ds(jj * L, L)] = p
            cnt_res[pl.ds(jj * L, L)] = q
            gidx[pl.ds(jj * L, L)] = jnp.minimum(
                jnp.maximum(p, zero), jnp.full((L,), BATCH - 1, jnp.int32))

        pltpu.async_copy(loss_hbm.at[gidx], gval, sem).wait()

        pltpu.sync_copy(pos_res, pos_out.at[c, pl.ds(b0, BPT)])
        pltpu.sync_copy(cnt_res, cnt_out.at[c, pl.ds(b0, BPT)])
        pltpu.sync_copy(gval, val_out.at[c, pl.ds(b0, BPT)])


@jax.jit
def _sc_stats(t_index, loss_batch):
    mesh = plsc.VectorSubcoreMesh(
        core_axis_name="c", subcore_axis_name="s",
        num_cores=NC, num_subcores=NS)
    fn = pl.kernel(
        _sc_body,
        out_type=[
            jax.ShapeDtypeStruct((NC, NTP), jnp.int32),
            jax.ShapeDtypeStruct((NC, NTP), jnp.int32),
            jax.ShapeDtypeStruct((NC, NTP), jnp.float32),
        ],
        mesh=mesh,
        compiler_params=pltpu.CompilerParams(needs_layout_passes=False),
        scratch_types=[
            pltpu.VMEM((CHUNK,), jnp.int32),
            pltpu.VMEM((NTP,), jnp.int32),
            pltpu.VMEM((NTP,), jnp.int32),
            pltpu.VMEM_SHARED((NS, NTP), jnp.int32),
            pltpu.VMEM_SHARED((NS, NTP), jnp.int32),
            pltpu.VMEM((NS, BPT), jnp.int32),
            pltpu.VMEM((NS, BPT), jnp.int32),
            pltpu.VMEM((BPT,), jnp.int32),
            pltpu.VMEM((BPT,), jnp.int32),
            pltpu.VMEM((BPT,), jnp.int32),
            pltpu.VMEM((BPT,), jnp.float32),
            pltpu.SemaphoreType.DMA,
        ],
    )
    return fn(t_index, loss_batch)


def _tc_body(pos_ref, cnt_ref, val_ref, osq_ref, ocnt_ref,
             sq_out, cnt_out, scal_out):
    nt = NUM_TIMESTEPS
    p0 = pos_ref[0, pl.ds(0, nt)]
    p1 = pos_ref[1, pl.ds(0, nt)]
    pos = jnp.maximum(p0, p1)
    val = jnp.where(p1 > p0, val_ref[1, pl.ds(0, nt)], val_ref[0, pl.ds(0, nt)])
    ncnt = ocnt_ref[...] + cnt_ref[0, pl.ds(0, nt)] + cnt_ref[1, pl.ds(0, nt)]
    osq = osq_ref[...]
    one_m_decay = jnp.float32(1 - DECAY)
    decay = jnp.float32(DECAY)
    nsq = jnp.where(pos >= 0, one_m_decay * (val * val) + decay * osq, osq)

    sq_out[...] = nsq
    cnt_out[...] = ncnt

    probs = jnp.sqrt(nsq)
    probs = probs / jnp.sum(probs)
    probs = probs * jnp.float32(1 - UNIFORM_PROB) + jnp.float32(
        UNIFORM_PROB / NUM_TIMESTEPS)
    entropy = -jnp.sum(probs * jnp.log(probs))

    cntf = ncnt.astype(jnp.float32)
    mean_cnt = jnp.sum(cntf) / NUM_TIMESTEPS
    min_cnt = jnp.min(cntf)
    max_cnt = jnp.max(cntf)
    mean_sq = jnp.sum(nsq) / NUM_TIMESTEPS
    min_sq = jnp.min(nsq)
    max_sq = jnp.max(nsq)

    li = lax.broadcasted_iota(jnp.int32, (8,), 0)
    scal = jnp.where(li == 0, entropy, 0.0)
    for k, v in enumerate((mean_cnt, min_cnt, max_cnt, mean_sq, min_sq,
                           max_sq)):
        scal = jnp.where(li == k + 1, v, scal)
    scal_out[...] = scal


def _finalize(pos, cnt, val, loss_sq_hist, loss_count_hist):
    nsq, ncnt, scal = pl.pallas_call(
        _tc_body,
        out_shape=[
            jax.ShapeDtypeStruct((NUM_TIMESTEPS,), jnp.float32),
            jax.ShapeDtypeStruct((NUM_TIMESTEPS,), jnp.int32),
            jax.ShapeDtypeStruct((8,), jnp.float32),
        ],
    )(pos, cnt, val, loss_sq_hist, loss_count_hist)
    return (nsq, ncnt, scal[:7])


def kernel(loss_batch, t_index, loss_sq_hist, loss_count_hist):
    pos, cnt, val = _sc_stats(t_index, loss_batch)
    return _finalize(pos, cnt, val, loss_sq_hist, loss_count_hist)

# --- scband reference (transcript-rebuilt; emitter-appended) ---
"""Pipeline reference for scband-time-sampler-77094662963996 (READ-ONLY COPY).

The authoritative reference and input builder live on the scoring server;
editing this copy changes nothing except your own understanding.
"""

import jax, jax.numpy as jnp
import numpy as np
from jax import lax

NUM_TIMESTEPS = 1000
DECAY = 0.9
UNIFORM_PROB = 0.01
BATCH = 1048576


def scatter_add(x, indices, updates):
    dim_num = lax.ScatterDimensionNumbers(update_window_dims=(), inserted_window_dims=(0,), scatter_dims_to_operand_dims=(0,))
    return lax.scatter_add(x, scatter_indices=indices[:, None], updates=updates, dimension_numbers=dim_num)


def scatter_set(x, indices, updates):
    dim_num = lax.ScatterDimensionNumbers(update_window_dims=(), inserted_window_dims=(0,), scatter_dims_to_operand_dims=(0,))
    return lax.scatter(x, scatter_indices=indices[:, None], updates=updates, dimension_numbers=dim_num)


def t_probs_from_loss_sq(loss_sq_hist):
    probs = jnp.sqrt(loss_sq_hist)
    probs = probs / probs.sum()
    probs = probs * (1 - UNIFORM_PROB)
    probs = probs + UNIFORM_PROB / NUM_TIMESTEPS
    return probs


def setup_inputs(seed: int = 0) -> dict:
    key = jax.random.key(seed)
    k1, k2, k3, k4 = jax.random.split(key, 4)
    loss_batch = jax.random.uniform(k1, (BATCH,), dtype=jnp.float32)
    t_index = jax.random.randint(k2, (BATCH,), 0, NUM_TIMESTEPS, dtype=jnp.int32)
    # hk state: loss_sq_hist initialized to small positive values so sqrt-normalised probs are finite
    loss_sq_hist = jax.random.uniform(k3, (NUM_TIMESTEPS,), dtype=jnp.float32) + 0.1
    loss_count_hist = jax.random.randint(k4, (NUM_TIMESTEPS,), 0, 100, dtype=jnp.int32)
    return {"loss_batch": loss_batch, "t_index": t_index, "loss_sq_hist": loss_sq_hist, "loss_count_hist": loss_count_hist}


def reference(loss_batch, t_index, loss_sq_hist, loss_count_hist):
    # TimeSampler.update_loss_sq_hist: EMA-update squared-loss histogram and count histogram
    loss_sq_batch = loss_batch ** 2
    loss_sq_prev = loss_sq_hist[t_index]
    loss_sq_updated = (1 - DECAY) * loss_sq_batch + DECAY * loss_sq_prev
    new_loss_sq_hist = scatter_set(loss_sq_hist, t_index, loss_sq_updated)
    new_loss_count_hist = scatter_add(loss_count_hist, t_index, jnp.ones_like(t_index, dtype=jnp.int32))
    probs = t_probs_from_loss_sq(new_loss_sq_hist)
    entropy = -jnp.sum(probs * jnp.log(probs))
    scalars = jnp.stack([
        entropy,
        jnp.mean(new_loss_count_hist.astype(jnp.float32)),
        jnp.min(new_loss_count_hist).astype(jnp.float32),
        jnp.max(new_loss_count_hist).astype(jnp.float32),
        jnp.mean(new_loss_sq_hist),
        jnp.min(new_loss_sq_hist),
        jnp.max(new_loss_sq_hist),
    ])
    return (new_loss_sq_hist, new_loss_count_hist, scalars)

if __name__ == "__main__":
    import jax
    _d = setup_inputs()
    print(jax.jit(kernel)(*tuple(_d.values())))

</pallas_src>

<mosaic_0001>
#map = affine_map<(d0, d1) -> (0)>
#map1 = affine_map<(d0, d1) -> (0, 0)>
module attributes {stable_mosaic.version = 14 : i64} {
  func.func @_sc_body(%arg0: i32, %arg1: i32, %arg2: memref<1048576xi32, #tpu.memory_space<hbm>>, %arg3: memref<1048576xf32, #tpu.memory_space<hbm>>, %arg4: memref<2x1024xi32, #tpu.memory_space<hbm>>, %arg5: memref<2x1024xi32, #tpu.memory_space<hbm>>, %arg6: memref<2x1024xf32, #tpu.memory_space<hbm>>, %arg7: memref<32768xi32, #tpu.memory_space<vmem>>, %arg8: memref<1024xi32, #tpu.memory_space<vmem>>, %arg9: memref<1024xi32, #tpu.memory_space<vmem>>, %arg10: memref<16x1024xi32, #tpu.memory_space<vmem_shared>>, %arg11: memref<16x1024xi32, #tpu.memory_space<vmem_shared>>, %arg12: memref<16x128xi32, #tpu.memory_space<vmem>>, %arg13: memref<16x128xi32, #tpu.memory_space<vmem>>, %arg14: memref<128xi32, #tpu.memory_space<vmem>>, %arg15: memref<128xi32, #tpu.memory_space<vmem>>, %arg16: memref<128xi32, #tpu.memory_space<vmem>>, %arg17: memref<128xf32, #tpu.memory_space<vmem>>, %arg18: memref<!tpu.dma_semaphore, #tpu.memory_space<semaphore_mem>>) attributes {dimension_semantics = [#tpu.dimension_semantics<core_parallel>, #tpu.dimension_semantics<subcore_parallel>], iteration_bounds = array<i64: 2, 16>, scalar_prefetch = 0 : i64, scratch_operands = 12 : i64, tpu.core_type = #tpu.core_type<sc_vector_subcore>, window_params = [{transform_indices = #map}, {transform_indices = #map}, {transform_indices = #map1}, {transform_indices = #map1}, {transform_indices = #map1}]} {
    %mul3A = arith.constant 2 : i32
    %mul3A_0 = arith.muli %arg1, %mul3A : i32
    %add3A = arith.addi %mul3A_0, %arg0 : i32
    %mul3A_1 = arith.constant 32768 : i32
    %mul3A_2 = arith.muli %add3A, %mul3A_1 : i32
    %multiple_of3A = tpu.assume_multiple %mul3A_2, 32768 : i32
    %dma_start3A = tpu.memref_slice %arg2[%multiple_of3A] : memref<1048576xi32, #tpu.memory_space<hbm>> -> memref<32768xi32, #tpu.memory_space<hbm>>
    %dma_start3A_3 = tpu.memref_slice %arg2[%multiple_of3A] : memref<1048576xi32, #tpu.memory_space<hbm>> -> memref<32768xi32, #tpu.memory_space<hbm>>
    tpu.enqueue_dma source(%dma_start3A_3 : memref<32768xi32, #tpu.memory_space<hbm>>) target(%arg7 : memref<32768xi32, #tpu.memory_space<vmem>>) target_semaphore(%arg18 : memref<!tpu.dma_semaphore, #tpu.memory_space<semaphore_mem>>)
    %iota3A = tpu.iota {dimensions = array<i32: 0>} : vector<16xi32>
    %broadcast_in_dim3A = arith.constant -1 : i32
    %broadcast_in_dim3A_4 = vector.broadcast %broadcast_in_dim3A : i32 to vector<16xi32>
    %broadcast_in_dim3A_5 = arith.constant 0 : i32
    %broadcast_in_dim3A_6 = vector.broadcast %broadcast_in_dim3A_5 : i32 to vector<16xi32>
    %broadcast_in_dim3A_7 = arith.constant 1 : i32
    %broadcast_in_dim3A_8 = vector.broadcast %broadcast_in_dim3A_7 : i32 to vector<16xi32>
    %scan3A = arith.constant 0 : i32
    %scan3A_9 = arith.constant 8 : i32
    %scan3A_10 = arith.addi %scan3A, %scan3A_9 : i32
    %scan3A_11 = arith.constant 1 : i32
    scf.for %scan3A_23 = %scan3A to %scan3A_10 step %scan3A_11  : i32 {
      %mul3A_24 = arith.constant 128 : i32
      %mul3A_25 = arith.muli %scan3A_23, %mul3A_24 : i32
      %multiple_of3A_26 = tpu.assume_multiple %mul3A_25, 128 : i32
      %add3A_27 = arith.constant 0 : i32
      %add3A_28 = arith.addi %multiple_of3A_26, %add3A_27 : i32
      %swap3A = arith.index_cast %add3A_28 : i32 to index
      %swap3A_29 = tpu.vector_load %arg8[%swap3A] {strides = array<i32>} : memref<1024xi32, #tpu.memory_space<vmem>>, vector<16xi32>,
      tpu.vector_store %arg8[%swap3A], %broadcast_in_dim3A_4 {strides = array<i32>} : memref<1024xi32, #tpu.memory_space<vmem>>, vector<16xi32>,
      %add3A_30 = arith.constant 0 : i32
      %add3A_31 = arith.addi %multiple_of3A_26, %add3A_30 : i32
      %swap3A_32 = arith.index_cast %add3A_31 : i32 to index
      %swap3A_33 = tpu.vector_load %arg9[%swap3A_32] {strides = array<i32>} : memref<1024xi32, #tpu.memory_space<vmem>>, vector<16xi32>,
      tpu.vector_store %arg9[%swap3A_32], %broadcast_in_dim3A_6 {strides = array<i32>} : memref<1024xi32, #tpu.memory_space<vmem>>, vector<16xi32>,
      %add3A_34 = arith.constant 16 : i32
      %add3A_35 = arith.addi %multiple_of3A_26, %add3A_34 : i32
      %swap3A_36 = arith.index_cast %add3A_35 : i32 to index
      %swap3A_37 = tpu.vector_load %arg8[%swap3A_36] {strides = array<i32>} : memref<1024xi32, #tpu.memory_space<vmem>>, vector<16xi32>,
      tpu.vector_store %arg8[%swap3A_36], %broadcast_in_dim3A_4 {strides = array<i32>} : memref<1024xi32, #tpu.memory_space<vmem>>, vector<16xi32>,
      %add3A_38 = arith.constant 16 : i32
      %add3A_39 = arith.addi %multiple_of3A_26, %add3A_38 : i32
      %swap3A_40 = arith.index_cast %add3A_39 : i32 to index
      %swap3A_41 = tpu.vector_load %arg9[%swap3A_40] {strides = array<i32>} : memref<1024xi32, #tpu.memory_space<vmem>>, vector<16xi32>,
      tpu.vector_store %arg9[%swap3A_40], %broadcast_in_dim3A_6 {strides = array<i32>} : memref<1024xi32, #tpu.memory_space<vmem>>, vector<16xi32>,
      %add3A_42 = arith.constant 32 : i32
      %add3A_43 = arith.addi %multiple_of3A_26, %add3A_42 : i32
      %swap3A_44 = arith.index_cast %add3A_43 : i32 to index
      %swap3A_45 = tpu.vector_load %arg8[%swap3A_44] {strides = array<i32>} : memref<1024xi32, #tpu.memory_space<vmem>>, vector<16xi32>,
      tpu.vector_store %arg8[%swap3A_44], %broadcast_in_dim3A_4 {strides = array<i32>} : memref<1024xi32, #tpu.memory_space<vmem>>, vector<16xi32>,
      %add3A_46 = arith.constant 32 : i32
      %add3A_47 = arith.addi %multiple_of3A_26, %add3A_46 : i32
      %swap3A_48 = arith.index_cast %add3A_47 : i32 to index
      %swap3A_49 = tpu.vector_load %arg9[%swap3A_48] {strides = array<i32>} : memref<1024xi32, #tpu.memory_space<vmem>>, vector<16xi32>,
      tpu.vector_store %arg9[%swap3A_48], %broadcast_in_dim3A_6 {strides = array<i32>} : memref<1024xi32, #tpu.memory_space<vmem>>, vector<16xi32>,
      %add3A_50 = arith.constant 48 : i32
      %add3A_51 = arith.addi %multiple_of3A_26, %add3A_50 : i32
      %swap3A_52 = arith.index_cast %add3A_51 : i32 to index
      %swap3A_53 = tpu.vector_load %arg8[%swap3A_52] {strides = array<i32>} : memref<1024xi32, #tpu.memory_space<vmem>>, vector<16xi32>,
      tpu.vector_store %arg8[%swap3A_52], %broadcast_in_dim3A_4 {strides = array<i32>} : memref<1024xi32, #tpu.memory_space<vmem>>, vector<16xi32>,
      %add3A_54 = arith.constant 48 : i32
      %add3A_55 = arith.addi %multiple_of3A_26, %add3A_54 : i32
      %swap3A_56 = arith.index_cast %add3A_55 : i32 to index
      %swap3A_57 = tpu.vector_load %arg9[%swap3A_56] {strides = array<i32>} : memref<1024xi32, #tpu.memory_space<vmem>>, vector<16xi32>,
      tpu.vector_store %arg9[%swap3A_56], %broadcast_in_dim3A_6 {strides = array<i32>} : memref<1024xi32, #tpu.memory_space<vmem>>, vector<16xi32>,
      %add3A_58 = arith.constant 64 : i32
      %add3A_59 = arith.addi %multiple_of3A_26, %add3A_58 : i32
      %swap3A_60 = arith.index_cast %add3A_59 : i32 to index
      %swap3A_61 = tpu.vector_load %arg8[%swap3A_60] {strides = array<i32>} : memref<1024xi32, #tpu.memory_space<vmem>>, vector<16xi32>,
      tpu.vector_store %arg8[%swap3A_60], %broadcast_in_dim3A_4 {strides = array<i32>} : memref<1024xi32, #tpu.memory_space<vmem>>, vector<16xi32>,
      %add3A_62 = arith.constant 64 : i32
      %add3A_63 = arith.addi %multiple_of3A_26, %add3A_62 : i32
      %swap3A_64 = arith.index_cast %add3A_63 : i32 to index
      %swap3A_65 = tpu.vector_load %arg9[%swap3A_64] {strides = array<i32>} : memref<1024xi32, #tpu.memory_space<vmem>>, vector<16xi32>,
      tpu.vector_store %arg9[%swap3A_64], %broadcast_in_dim3A_6 {strides = array<i32>} : memref<1024xi32, #tpu.memory_space<vmem>>, vector<16xi32>,
      %add3A_66 = arith.constant 80 : i32
      %add3A_67 = arith.addi %multiple_of3A_26, %add3A_66 : i32
      %swap3A_68 = arith.index_cast %add3A_67 : i32 to index
      %swap3A_69 = tpu.vector_load %arg8[%swap3A_68] {strides = array<i32>} : memref<1024xi32, #tpu.memory_space<vmem>>, vector<16xi32>,
      tpu.vector_store %arg8[%swap3A_68], %broadcast_in_dim3A_4 {strides = array<i32>} : memref<1024xi32, #tpu.memory_space<vmem>>, vector<16xi32>,
      %add3A_70 = arith.constant 80 : i32
      %add3A_71 = arith.addi %multiple_of3A_26, %add3A_70 : i32
      %swap3A_72 = arith.index_cast %add3A_71 : i32 to index
      %swap3A_73 = tpu.vector_load %arg9[%swap3A_72] {strides = array<i32>} : memref<1024xi32, #tpu.memory_space<vmem>>, vector<16xi32>,
      tpu.vector_store %arg9[%swap3A_72], %broadcast_in_dim3A_6 {strides = array<i32>} : memref<1024xi32, #tpu.memory_space<vmem>>, vector<16xi32>,
      %add3A_74 = arith.constant 96 : i32
      %add3A_75 = arith.addi %multiple_of3A_26, %add3A_74 : i32
      %swap3A_76 = arith.index_cast %add3A_75 : i32 to index
      %swap3A_77 = tpu.vector_load %arg8[%swap3A_76] {strides = array<i32>} : memref<1024xi32, #tpu.memory_space<vmem>>, vector<16xi32>,
      tpu.vector_store %arg8[%swap3A_76], %broadcast_in_dim3A_4 {strides = array<i32>} : memref<1024xi32, #tpu.memory_space<vmem>>, vector<16xi32>,
      %add3A_78 = arith.constant 96 : i32
      %add3A_79 = arith.addi %multiple_of3A_26, %add3A_78 : i32
      %swap3A_80 = arith.index_cast %add3A_79 : i32 to index
      %swap3A_81 = tpu.vector_load %arg9[%swap3A_80] {strides = array<i32>} : memref<1024xi32, #tpu.memory_space<vmem>>, vector<16xi32>,
      tpu.vector_store %arg9[%swap3A_80], %broadcast_in_dim3A_6 {strides = array<i32>} : memref<1024xi32, #tpu.memory_space<vmem>>, vector<16xi32>,
      %add3A_82 = arith.constant 112 : i32
      %add3A_83 = arith.addi %multiple_of3A_26, %add3A_82 : i32
      %swap3A_84 = arith.index_cast %add3A_83 : i32 to index
      %swap3A_85 = tpu.vector_load %arg8[%swap3A_84] {strides = array<i32>} : memref<1024xi32, #tpu.memory_space<vmem>>, vector<16xi32>,
      tpu.vector_store %arg8[%swap3A_84], %broadcast_in_dim3A_4 {strides = array<i32>} : memref<1024xi32, #tpu.memory_space<vmem>>, vector<16xi32>,
      %add3A_86 = arith.constant 112 : i32
      %add3A_87 = arith.addi %multiple_of3A_26, %add3A_86 : i32
      %swap3A_88 = arith.index_cast %add3A_87 : i32 to index
      %swap3A_89 = tpu.vector_load %arg9[%swap3A_88] {strides = array<i32>} : memref<1024xi32, #tpu.memory_space<vmem>>, vector<16xi32>,
      tpu.vector_store %arg9[%swap3A_88], %broadcast_in_dim3A_6 {strides = array<i32>} : memref<1024xi32, #tpu.memory_space<vmem>>, vector<16xi32>,
    }
    %scan3A_12 = arith.constant 8 : i32
    %dma_wait3A = tpu.memref_slice %arg2[%multiple_of3A] : memref<1048576xi32, #tpu.memory_space<hbm>> -> memref<32768xi32, #tpu.memory_space<hbm>>
    %dma_wait3A_13 = tpu.memref_slice %arg2[%multiple_of3A] : memref<1048576xi32, #tpu.memory_space<hbm>> -> memref<32768xi32, #tpu.memory_space<hbm>>
    tpu.wait_dma2 semaphore(%arg18 : memref<!tpu.dma_semaphore, #tpu.memory_space<semaphore_mem>>) src(%dma_wait3A_13 : memref<32768xi32, #tpu.memory_space<hbm>>) dst(%arg7 : memref<32768xi32, #tpu.memory_space<vmem>>)
    %broadcast_in_dim3A_14 = vector.broadcast %mul3A_2 : i32 to vector<16xi32>
    %add3A_15 = arith.addi %broadcast_in_dim3A_14, %iota3A : vector<16xi32>
    %scan3A_16 = arith.constant 0 : i32
    %scan3A_17 = arith.constant 256 : i32
    %scan3A_18 = arith.addi %scan3A_16, %scan3A_17 : i32
    %scan3A_19 = arith.constant 1 : i32
    scf.for %scan3A_23 = %scan3A_16 to %scan3A_18 step %scan3A_19  : i32 {
      %mul3A_24 = arith.constant 128 : i32
      %mul3A_25 = arith.muli %scan3A_23, %mul3A_24 : i32
      %multiple_of3A_26 = tpu.assume_multiple %mul3A_25, 128 : i32
      %add3A_27 = arith.constant 0 : i32
      %add3A_28 = arith.addi %multiple_of3A_26, %add3A_27 : i32
      %get3A = arith.index_cast %add3A_28 : i32 to index
      %get3A_29 = tpu.vector_load %arg7[%get3A] {strides = array<i32>} : memref<32768xi32, #tpu.memory_space<vmem>>, vector<16xi32>,
      %add3A_30 = arith.constant 0 : i32
      %add3A_31 = arith.addi %multiple_of3A_26, %add3A_30 : i32
      %add3A_32 = vector.broadcast %add3A_31 : i32 to vector<16xi32>
      %add3A_33 = arith.addi %add3A_15, %add3A_32 : vector<16xi32>
      tpu.vector_store_idx %arg8[%get3A_29], %add3A_33 : memref<1024xi32, #tpu.memory_space<vmem>>[vector<16xi32>], vector<16xi32>,
      tpu.vector_store_idx %arg9[%get3A_29], %broadcast_in_dim3A_8 {add = true} : memref<1024xi32, #tpu.memory_space<vmem>>[vector<16xi32>], vector<16xi32>,
      %add3A_34 = arith.constant 16 : i32
      %add3A_35 = arith.addi %multiple_of3A_26, %add3A_34 : i32
      %get3A_36 = arith.index_cast %add3A_35 : i32 to index
      %get3A_37 = tpu.vector_load %arg7[%get3A_36] {strides = array<i32>} : memref<32768xi32, #tpu.memory_space<vmem>>, vector<16xi32>,
      %add3A_38 = arith.constant 16 : i32
      %add3A_39 = arith.addi %multiple_of3A_26, %add3A_38 : i32
      %add3A_40 = vector.broadcast %add3A_39 : i32 to vector<16xi32>
      %add3A_41 = arith.addi %add3A_15, %add3A_40 : vector<16xi32>
      tpu.vector_store_idx %arg8[%get3A_37], %add3A_41 : memref<1024xi32, #tpu.memory_space<vmem>>[vector<16xi32>], vector<16xi32>,
      tpu.vector_store_idx %arg9[%get3A_37], %broadcast_in_dim3A_8 {add = true} : memref<1024xi32, #tpu.memory_space<vmem>>[vector<16xi32>], vector<16xi32>,
      %add3A_42 = arith.constant 32 : i32
      %add3A_43 = arith.addi %multiple_of3A_26, %add3A_42 : i32
      %get3A_44 = arith.index_cast %add3A_43 : i32 to index
      %get3A_45 = tpu.vector_load %arg7[%get3A_44] {strides = array<i32>} : memref<32768xi32, #tpu.memory_space<vmem>>, vector<16xi32>,
      %add3A_46 = arith.constant 32 : i32
      %add3A_47 = arith.addi %multiple_of3A_26, %add3A_46 : i32
      %add3A_48 = vector.broadcast %add3A_47 : i32 to vector<16xi32>
      %add3A_49 = arith.addi %add3A_15, %add3A_48 : vector<16xi32>
      tpu.vector_store_idx %arg8[%get3A_45], %add3A_49 : memref<1024xi32, #tpu.memory_space<vmem>>[vector<16xi32>], vector<16xi32>,
      tpu.vector_store_idx %arg9[%get3A_45], %broadcast_in_dim3A_8 {add = true} : memref<1024xi32, #tpu.memory_space<vmem>>[vector<16xi32>], vector<16xi32>,
      %add3A_50 = arith.constant 48 : i32
      %add3A_51 = arith.addi %multiple_of3A_26, %add3A_50 : i32
      %get3A_52 = arith.index_cast %add3A_51 : i32 to index
      %get3A_53 = tpu.vector_load %arg7[%get3A_52] {strides = array<i32>} : memref<32768xi32, #tpu.memory_space<vmem>>, vector<16xi32>,
      %add3A_54 = arith.constant 48 : i32
      %add3A_55 = arith.addi %multiple_of3A_26, %add3A_54 : i32
      %add3A_56 = vector.broadcast %add3A_55 : i32 to vector<16xi32>
      %add3A_57 = arith.addi %add3A_15, %add3A_56 : vector<16xi32>
      tpu.vector_store_idx %arg8[%get3A_53], %add3A_57 : memref<1024xi32, #tpu.memory_space<vmem>>[vector<16xi32>], vector<16xi32>,
      tpu.vector_store_idx %arg9[%get3A_53], %broadcast_in_dim3A_8 {add = true} : memref<1024xi32, #tpu.memory_space<vmem>>[vector<16xi32>], vector<16xi32>,
      %add3A_58 = arith.constant 64 : i32
      %add3A_59 = arith.addi %multiple_of3A_26, %add3A_58 : i32
      %get3A_60 = arith.index_cast %add3A_59 : i32 to index
      %get3A_61 = tpu.vector_load %arg7[%get3A_60] {strides = array<i32>} : memref<32768xi32, #tpu.memory_space<vmem>>, vector<16xi32>,
      %add3A_62 = arith.constant 64 : i32
      %add3A_63 = arith.addi %multiple_of3A_26, %add3A_62 : i32
      %add3A_64 = vector.broadcast %add3A_63 : i32 to vector<16xi32>
      %add3A_65 = arith.addi %add3A_15, %add3A_64 : vector<16xi32>
      tpu.vector_store_idx %arg8[%get3A_61], %add3A_65 : memref<1024xi32, #tpu.memory_space<vmem>>[vector<16xi32>], vector<16xi32>,
      tpu.vector_store_idx %arg9[%get3A_61], %broadcast_in_dim3A_8 {add = true} : memref<1024xi32, #tpu.memory_space<vmem>>[vector<16xi32>], vector<16xi32>,
      %add3A_66 = arith.constant 80 : i32
      %add3A_67 = arith.addi %multiple_of3A_26, %add3A_66 : i32
      %get3A_68 = arith.index_cast %add3A_67 : i32 to index
      %get3A_69 = tpu.vector_load %arg7[%get3A_68] {strides = array<i32>} : memref<32768xi32, #tpu.memory_space<vmem>>, vector<16xi32>,
      %add3A_70 = arith.constant 80 : i32
      %add3A_71 = arith.addi %multiple_of3A_26, %add3A_70 : i32
      %add3A_72 = vector.broadcast %add3A_71 : i32 to vector<16xi32>
      %add3A_73 = arith.addi %add3A_15, %add3A_72 : vector<16xi32>
      tpu.vector_store_idx %arg8[%get3A_69], %add3A_73 : memref<1024xi32, #tpu.memory_space<vmem>>[vector<16xi32>], vector<16xi32>,
      tpu.vector_store_idx %arg9[%get3A_69], %broadcast_in_dim3A_8 {add = true} : memref<1024xi32, #tpu.memory_space<vmem>>[vector<16xi32>], vector<16xi32>,
      %add3A_74 = arith.constant 96 : i32
      %add3A_75 = arith.addi %multiple_of3A_26, %add3A_74 : i32
      %get3A_76 = arith.index_cast %add3A_75 : i32 to index
      %get3A_77 = tpu.vector_load %arg7[%get3A_76] {strides = array<i32>} : memref<32768xi32, #tpu.memory_space<vmem>>, vector<16xi32>,
      %add3A_78 = arith.constant 96 : i32
      %add3A_79 = arith.addi %multiple_of3A_26, %add3A_78 : i32
      %add3A_80 = vector.broadcast %add3A_79 : i32 to vector<16xi32>
      %add3A_81 = arith.addi %add3A_15, %add3A_80 : vector<16xi32>
      tpu.vector_store_idx %arg8[%get3A_77], %add3A_81 : memref<1024xi32, #tpu.memory_space<vmem>>[vector<16xi32>], vector<16xi32>,
      tpu.vector_store_idx %arg9[%get3A_77], %broadcast_in_dim3A_8 {add = true} : memref<1024xi32, #tpu.memory_space<vmem>>[vector<16xi32>], vector<16xi32>,
      %add3A_82 = arith.constant 112 : i32
      %add3A_83 = arith.addi %multiple_of3A_26, %add3A_82 : i32
      %get3A_84 = arith.index_cast %add3A_83 : i32 to index
      %get3A_85 = tpu.vector_load %arg7[%get3A_84] {strides = array<i32>} : memref<32768xi32, #tpu.memory_space<vmem>>, vector<16xi32>,
      %add3A_86 = arith.constant 112 : i32
      %add3A_87 = arith.addi %multiple_of3A_26, %add3A_86 : i32
      %add3A_88 = vector.broadcast %add3A_87 : i32 to vector<16xi32>
      %add3A_89 = arith.addi %add3A_15, %add3A_88 : vector<16xi32>
      tpu.vector_store_idx %arg8[%get3A_85], %add3A_89 : memref<1024xi32, #tpu.memory_space<vmem>>[vector<16xi32>], vector<16xi32>,
      tpu.vector_store_idx %arg9[%get3A_85], %broadcast_in_dim3A_8 {add = true} : memref<1024xi32, #tpu.memory_space<vmem>>[vector<16xi32>], vector<16xi32>,
    }
    %scan3A_20 = arith.constant 256 : i32
    "tpu.region"() ({
      %run_scoped3A = tpu.sem_alloc : memref<!tpu.dma_semaphore, #tpu.memory_space<semaphore_mem>>
      %dma_start3A_23 = arith.constant 0 : i32
      %dma_start3A_24 = tpu.memref_slice %arg10[%arg1, %dma_start3A_23] : memref<16x1024xi32, #tpu.memory_space<vmem_shared>> -> memref<1x1024xi32, #tpu.memory_space<vmem_shared>>
      %dma_start3A_25 = tpu.memref_squeeze %dma_start3A_24 : memref<1x1024xi32, #tpu.memory_space<vmem_shared>> -> memref<1024xi32, #tpu.memory_space<vmem_shared>>
      %dma_start3A_26 = arith.constant 0 : i32
      %dma_start3A_27 = tpu.memref_slice %arg10[%arg1, %dma_start3A_26] : memref<16x1024xi32, #tpu.memory_space<vmem_shared>> -> memref<1x1024xi32, #tpu.memory_space<vmem_shared>>
      %dma_start3A_28 = tpu.memref_squeeze %dma_start3A_27 : memref<1x1024xi32, #tpu.memory_space<vmem_shared>> -> memref<1024xi32, #tpu.memory_space<vmem_shared>>
      tpu.enqueue_dma source(%arg8 : memref<1024xi32, #tpu.memory_space<vmem>>) target(%dma_start3A_28 : memref<1024xi32, #tpu.memory_space<vmem_shared>>) target_semaphore(%run_scoped3A : memref<!tpu.dma_semaphore, #tpu.memory_space<semaphore_mem>>)
      %dma_wait3A_29 = arith.constant 0 : i32
      %dma_wait3A_30 = tpu.memref_slice %arg10[%arg1, %dma_wait3A_29] : memref<16x1024xi32, #tpu.memory_space<vmem_shared>> -> memref<1x1024xi32, #tpu.memory_space<vmem_shared>>
      %dma_wait3A_31 = tpu.memref_squeeze %dma_wait3A_30 : memref<1x1024xi32, #tpu.memory_space<vmem_shared>> -> memref<1024xi32, #tpu.memory_space<vmem_shared>>
      %dma_wait3A_32 = arith.constant 0 : i32
      %dma_wait3A_33 = tpu.memref_slice %arg10[%arg1, %dma_wait3A_32] : memref<16x1024xi32, #tpu.memory_space<vmem_shared>> -> memref<1x1024xi32, #tpu.memory_space<vmem_shared>>
      %dma_wait3A_34 = tpu.memref_squeeze %dma_wait3A_33 : memref<1x1024xi32, #tpu.memory_space<vmem_shared>> -> memref<1024xi32, #tpu.memory_space<vmem_shared>>
      tpu.wait_dma2 semaphore(%run_scoped3A : memref<!tpu.dma_semaphore, #tpu.memory_space<semaphore_mem>>) src(%arg8 : memref<1024xi32, #tpu.memory_space<vmem>>) dst(%dma_wait3A_34 : memref<1024xi32, #tpu.memory_space<vmem_shared>>)
      tpu.yield
    }) : () -> ()
    "tpu.region"() ({
      %run_scoped3A = tpu.sem_alloc : memref<!tpu.dma_semaphore, #tpu.memory_space<semaphore_mem>>
      %dma_start3A_23 = arith.constant 0 : i32
      %dma_start3A_24 = tpu.memref_slice %arg11[%arg1, %dma_start3A_23] : memref<16x1024xi32, #tpu.memory_space<vmem_shared>> -> memref<1x1024xi32, #tpu.memory_space<vmem_shared>>
      %dma_start3A_25 = tpu.memref_squeeze %dma_start3A_24 : memref<1x1024xi32, #tpu.memory_space<vmem_shared>> -> memref<1024xi32, #tpu.memory_space<vmem_shared>>
      %dma_start3A_26 = arith.constant 0 : i32
      %dma_start3A_27 = tpu.memref_slice %arg11[%arg1, %dma_start3A_26] : memref<16x1024xi32, #tpu.memory_space<vmem_shared>> -> memref<1x1024xi32, #tpu.memory_space<vmem_shared>>
      %dma_start3A_28 = tpu.memref_squeeze %dma_start3A_27 : memref<1x1024xi32, #tpu.memory_space<vmem_shared>> -> memref<1024xi32, #tpu.memory_space<vmem_shared>>
      tpu.enqueue_dma source(%arg9 : memref<1024xi32, #tpu.memory_space<vmem>>) target(%dma_start3A_28 : memref<1024xi32, #tpu.memory_space<vmem_shared>>) target_semaphore(%run_scoped3A : memref<!tpu.dma_semaphore, #tpu.memory_space<semaphore_mem>>)
      %dma_wait3A_29 = arith.constant 0 : i32
      %dma_wait3A_30 = tpu.memref_slice %arg11[%arg1, %dma_wait3A_29] : memref<16x1024xi32, #tpu.memory_space<vmem_shared>> -> memref<1x1024xi32, #tpu.memory_space<vmem_shared>>
      %dma_wait3A_31 = tpu.memref_squeeze %dma_wait3A_30 : memref<1x1024xi32, #tpu.memory_space<vmem_shared>> -> memref<1024xi32, #tpu.memory_space<vmem_shared>>
      %dma_wait3A_32 = arith.constant 0 : i32
      %dma_wait3A_33 = tpu.memref_slice %arg11[%arg1, %dma_wait3A_32] : memref<16x1024xi32, #tpu.memory_space<vmem_shared>> -> memref<1x1024xi32, #tpu.memory_space<vmem_shared>>
      %dma_wait3A_34 = tpu.memref_squeeze %dma_wait3A_33 : memref<1x1024xi32, #tpu.memory_space<vmem_shared>> -> memref<1024xi32, #tpu.memory_space<vmem_shared>>
      tpu.wait_dma2 semaphore(%run_scoped3A : memref<!tpu.dma_semaphore, #tpu.memory_space<semaphore_mem>>) src(%arg9 : memref<1024xi32, #tpu.memory_space<vmem>>) dst(%dma_wait3A_34 : memref<1024xi32, #tpu.memory_space<vmem_shared>>)
      tpu.yield
    }) : () -> ()
    %barrier3A = arith.constant 0 : index
    tpu.barrier barrier_id(%barrier3A)
    %lt3A = arith.constant 8 : i32
    %lt3A_21 = arith.cmpi slt, %arg1, %lt3A : i32
    %convert_element_type3A = arith.extui %lt3A_21 : i1 to i32
    %cond3A = arith.constant 0 : i32
    %cond3A_22 = arith.cmpi ne, %convert_element_type3A, %cond3A : i32
    scf.if %cond3A_22 {
      %mul3A_23 = arith.constant 128 : i32
      %mul3A_24 = arith.muli %arg1, %mul3A_23 : i32
      %multiple_of3A_25 = tpu.assume_multiple %mul3A_24, 128 : i32
      "tpu.region"() ({
        %run_scoped3A = tpu.sem_alloc : memref<!tpu.dma_semaphore, #tpu.memory_space<semaphore_mem>>
        %dma_start3A_1370 = arith.constant 0 : i32
        %dma_start3A_1371 = tpu.memref_slice %arg10[%dma_start3A_1370, %multiple_of3A_25] : memref<16x1024xi32, #tpu.memory_space<vmem_shared>> -> memref<16x128xi32, #tpu.memory_space<vmem_shared>>
        %dma_start3A_1372 = arith.constant 0 : i32
        %dma_start3A_1373 = tpu.memref_slice %arg10[%dma_start3A_1372, %multiple_of3A_25] : memref<16x1024xi32, #tpu.memory_space<vmem_shared>> -> memref<16x128xi32, #tpu.memory_space<vmem_shared>>
        tpu.enqueue_dma source(%dma_start3A_1373 : memref<16x128xi32, #tpu.memory_space<vmem_shared>>) target(%arg12 : memref<16x128xi32, #tpu.memory_space<vmem>>) target_semaphore(%run_scoped3A : memref<!tpu.dma_semaphore, #tpu.memory_space<semaphore_mem>>)
        %dma_wait3A_1374 = arith.constant 0 : i32
        %dma_wait3A_1375 = tpu.memref_slice %arg10[%dma_wait3A_1374, %multiple_of3A_25] : memref<16x1024xi32, #tpu.memory_space<vmem_shared>> -> memref<16x128xi32, #tpu.memory_space<vmem_shared>>
        %dma_wait3A_1376 = arith.constant 0 : i32
        %dma_wait3A_1377 = tpu.memref_slice %arg10[%dma_wait3A_1376, %multiple_of3A_25] : memref<16x1024xi32, #tpu.memory_space<vmem_shared>> -> memref<16x128xi32, #tpu.memory_space<vmem_shared>>
        tpu.wait_dma2 semaphore(%run_scoped3A : memref<!tpu.dma_semaphore, #tpu.memory_space<semaphore_mem>>) src(%dma_wait3A_1377 : memref<16x128xi32, #tpu.memory_space<vmem_shared>>) dst(%arg12 : memref<16x128xi32, #tpu.memory_space<vmem>>)
        tpu.yield
      }) : () -> ()
      "tpu.region"() ({
        %run_scoped3A = tpu.sem_alloc : memref<!tpu.dma_semaphore, #tpu.memory_space<semaphore_mem>>
        %dma_start3A_1370 = arith.constant 0 : i32
        %dma_start3A_1371 = tpu.memref_slice %arg11[%dma_start3A_1370, %multiple_of3A_25] : memref<16x1024xi32, #tpu.memory_space<vmem_shared>> -> memref<16x128xi32, #tpu.memory_space<vmem_shared>>
        %dma_start3A_1372 = arith.constant 0 : i32
        %dma_start3A_1373 = tpu.memref_slice %arg11[%dma_start3A_1372, %multiple_of3A_25] : memref<16x1024xi32, #tpu.memory_space<vmem_shared>> -> memref<16x128xi32, #tpu.memory_space<vmem_shared>>
        tpu.enqueue_dma source(%dma_start3A_1373 : memref<16x128xi32, #tpu.memory_space<vmem_shared>>) target(%arg13 : memref<16x128xi32, #tpu.memory_space<vmem>>) target_semaphore(%run_scoped3A : memref<!tpu.dma_semaphore, #tpu.memory_space<semaphore_mem>>)
        %dma_wait3A_1374 = arith.constant 0 : i32
        %dma_wait3A_1375 = tpu.memref_slice %arg11[%dma_wait3A_1374, %multiple_of3A_25] : memref<16x1024xi32, #tpu.memory_space<vmem_shared>> -> memref<16x128xi32, #tpu.memory_space<vmem_shared>>
        %dma_wait3A_1376 = arith.constant 0 : i32
        %dma_wait3A_1377 = tpu.memref_slice %arg11[%dma_wait3A_1376, %multiple_of3A_25] : memref<16x1024xi32, #tpu.memory_space<vmem_shared>> -> memref<16x128xi32, #tpu.memory_space<vmem_shared>>
        tpu.wait_dma2 semaphore(%run_scoped3A : memref<!tpu.dma_semaphore, #tpu.memory_space<semaphore_mem>>) src(%dma_wait3A_1377 : memref<16x128xi32, #tpu.memory_space<vmem_shared>>) dst(%arg13 : memref<16x128xi32, #tpu.memory_space<vmem>>)
        tpu.yield
      }) : () -> ()
      %get3A = arith.constant 0 : i32
      %get3A_26 = arith.index_cast %get3A : i32 to index
      %get3A_27 = arith.constant 0 : index
      %get3A_28 = tpu.vector_load %arg12[%get3A_26, %get3A_27] {strides = array<i32>} : memref<16x128xi32, #tpu.memory_space<vmem>>, vector<16xi32>,
      %get3A_29 = arith.constant 0 : i32
      %get3A_30 = arith.index_cast %get3A_29 : i32 to index
      %get3A_31 = arith.constant 0 : index
      %get3A_32 = tpu.vector_load %arg13[%get3A_30, %get3A_31] {strides = array<i32>} : memref<16x128xi32, #tpu.memory_space<vmem>>, vector<16xi32>,
      %get3A_33 = arith.constant 1 : i32
      %get3A_34 = arith.index_cast %get3A_33 : i32 to index
      %get3A_35 = arith.constant 0 : index
      %get3A_36 = tpu.vector_load %arg12[%get3A_34, %get3A_35] {strides = array<i32>} : memref<16x128xi32, #tpu.memory_space<vmem>>, vector<16xi32>,
      %max3A = arith.maxsi %get3A_28, %get3A_36 : vector<16xi32>
      %get3A_37 = arith.constant 1 : i32
      %get3A_38 = arith.index_cast %get3A_37 : i32 to index
      %get3A_39 = arith.constant 0 : index
      %get3A_40 = tpu.vector_load %arg13[%get3A_38, %get3A_39] {strides = array<i32>} : memref<16x128xi32, #tpu.memory_space<vmem>>, vector<16xi32>,
      %add3A_41 = arith.addi %get3A_32, %get3A_40 : vector<16xi32>
      %get3A_42 = arith.constant 2 : i32
      %get3A_43 = arith.index_cast %get3A_42 : i32 to index
      %get3A_44 = arith.constant 0 : index
      %get3A_45 = tpu.vector_load %arg12[%get3A_43, %get3A_44] {strides = array<i32>} : memref<16x128xi32, #tpu.memory_space<vmem>>, vector<16xi32>,
      %max3A_46 = arith.maxsi %max3A, %get3A_45 : vector<16xi32>
      %get3A_47 = arith.constant 2 : i32
      %get3A_48 = arith.index_cast %get3A_47 : i32 to index
      %get3A_49 = arith.constant 0 : index
      %get3A_50 = tpu.vector_load %arg13[%get3A_48, %get3A_49] {strides = array<i32>} : memref<16x128xi32, #tpu.memory_space<vmem>>, vector<16xi32>,
      %add3A_51 = arith.addi %add3A_41, %get3A_50 : vector<16xi32>
      %get3A_52 = arith.constant 3 : i32
      %get3A_53 = arith.index_cast %get3A_52 : i32 to index
      %get3A_54 = arith.constant 0 : index
      %get3A_55 = tpu.vector_load %arg12[%get3A_53, %get3A_54] {strides = array<i32>} : memref<16x128xi32, #tpu.memory_space<vmem>>, vector<16xi32>,
      %max3A_56 = arith.maxsi %max3A_46, %get3A_55 : vector<16xi32>
      %get3A_57 = arith.constant 3 : i32
      %get3A_58 = arith.index_cast %get3A_57 : i32 to index
      %get3A_59 = arith.constant 0 : index
      %get3A_60 = tpu.vector_load %arg13[%get3A_58, %get3A_59] {strides = array<i32>} : memref<16x128xi32, #tpu.memory_space<vmem>>, vector<16xi32>,
      %add3A_61 = arith.addi %add3A_51, %get3A_60 : vector<16xi32>
      %get3A_62 = arith.constant 4 : i32
      %get3A_63 = arith.index_cast %get3A_62 : i32 to index
      %get3A_64 = arith.constant 0 : index
      %get3A_65 = tpu.vector_load %arg12[%get3A_63, %get3A_64] {strides = array<i32>} : memref<16x128xi32, #tpu.memory_space<vmem>>, vector<16xi32>,
      %max3A_66 = arith.maxsi %max3A_56, %get3A_65 : vector<16xi32>
      %get3A_67 = arith.constant 4 : i32
      %get3A_68 = arith.index_cast %get3A_67 : i32 to index
      %get3A_69 = arith.constant 0 : index
      %get3A_70 = tpu.vector_load %arg13[%get3A_68, %get3A_69] {strides = array<i32>} : memref<16x128xi32, #tpu.memory_space<vmem>>, vector<16xi32>,
      %add3A_71 = arith.addi %add3A_61, %get3A_70 : vector<16xi32>
      %get3A_72 = arith.constant 5 : i32
      %get3A_73 = arith.index_cast %get3A_72 : i32 to index
      %get3A_74 = arith.constant 0 : index
      %get3A_75 = tpu.vector_load %arg12[%get3A_73, %get3A_74] {strides = array<i32>} : memref<16x128xi32, #tpu.memory_space<vmem>>, vector<16xi32>,
      %max3A_76 = arith.maxsi %max3A_66, %get3A_75 : vector<16xi32>
      %get3A_77 = arith.constant 5 : i32
      %get3A_78 = arith.index_cast %get3A_77 : i32 to index
      %get3A_79 = arith.constant 0 : index
      %get3A_80 = tpu.vector_load %arg13[%get3A_78, %get3A_79] {strides = array<i32>} : memref<16x128xi32, #tpu.memory_space<vmem>>, vector<16xi32>,
      %add3A_81 = arith.addi %add3A_71, %get3A_80 : vector<16xi32>
      %get3A_82 = arith.constant 6 : i32
      %get3A_83 = arith.index_cast %get3A_82 : i32 to index
      %get3A_84 = arith.constant 0 : index
      %get3A_85 = tpu.vector_load %arg12[%get3A_83, %get3A_84] {strides = array<i32>} : memref<16x128xi32, #tpu.memory_space<vmem>>, vector<16xi32>,
      %max3A_86 = arith.maxsi %max3A_76, %get3A_85 : vector<16xi32>
      %get3A_87 = arith.constant 6 : i32
      %get3A_88 = arith.index_cast %get3A_87 : i32 to index
      %get3A_89 = arith.constant 0 : index
      %get3A_90 = tpu.vector_load %arg13[%get3A_88, %get3A_89] {strides = array<i32>} : memref<16x128xi32, #tpu.memory_space<vmem>>, vector<16xi32>,
      %add3A_91 = arith.addi %add3A_81, %get3A_90 : vector<16xi32>
      %get3A_92 = arith.constant 7 : i32
      %get3A_93 = arith.index_cast %get3A_92 : i32 to index
      %get3A_94 = arith.constant 0 : index
      %get3A_95 = tpu.vector_load %arg12[%get3A_93, %get3A_94] {strides = array<i32>} : memref<16x128xi32, #tpu.memory_space<vmem>>, vector<16xi32>,
      %max3A_96 = arith.maxsi %max3A_86, %get3A_95 : vector<16xi32>
      %get3A_97 = arith.constant 7 : i32
      %get3A_98 = arith.index_cast %get3A_97 : i32 to index
      %get3A_99 = arith.constant 0 : index
      %get3A_100 = tpu.vector_load %arg13[%get3A_98, %get3A_99] {strides = array<i32>} : memref<16x128xi32, #tpu.memory_space<vmem>>, vector<16xi32>,
      %add3A_101 = arith.addi %add3A_91, %get3A_100 : vector<16xi32>
      %get3A_102 = arith.constant 8 : i32
      %get3A_103 = arith.index_cast %get3A_102 : i32 to index
      %get3A_104 = arith.constant 0 : index
      %get3A_105 = tpu.vector_load %arg12[%get3A_103, %get3A_104] {strides = array<i32>} : memref<16x128xi32, #tpu.memory_space<vmem>>, vector<16xi32>,
      %max3A_106 = arith.maxsi %max3A_96, %get3A_105 : vector<16xi32>
      %get3A_107 = arith.constant 8 : i32
      %get3A_108 = arith.index_cast %get3A_107 : i32 to index
      %get3A_109 = arith.constant 0 : index
      %get3A_110 = tpu.vector_load %arg13[%get3A_108, %get3A_109] {strides = array<i32>} : memref<16x128xi32, #tpu.memory_space<vmem>>, vector<16xi32>,
      %add3A_111 = arith.addi %add3A_101, %get3A_110 : vector<16xi32>
      %get3A_112 = arith.constant 9 : i32
      %get3A_113 = arith.index_cast %get3A_112 : i32 to index
      %get3A_114 = arith.constant 0 : index
      %get3A_115 = tpu.vector_load %arg12[%get3A_113, %get3A_114] {strides = array<i32>} : memref<16x128xi32, #tpu.memory_space<vmem>>, vector<16xi32>,
      %max3A_116 = arith.maxsi %max3A_106, %get3A_115 : vector<16xi32>
      %get3A_117 = arith.constant 9 : i32
      %get3A_118 = arith.index_cast %get3A_117 : i32 to index
      %get3A_119 = arith.constant 0 : index
      %get3A_120 = tpu.vector_load %arg13[%get3A_118, %get3A_119] {strides = array<i32>} : memref<16x128xi32, #tpu.memory_space<vmem>>, vector<16xi32>,
      %add3A_121 = arith.addi %add3A_111, %get3A_120 : vector<16xi32>
      %get3A_122 = arith.constant 10 : i32
      %get3A_123 = arith.index_cast %get3A_122 : i32 to index
      %get3A_124 = arith.constant 0 : index
      %get3A_125 = tpu.vector_load %arg12[%get3A_123, %get3A_124] {strides = array<i32>} : memref<16x128xi32, #tpu.memory_space<vmem>>, vector<16xi32>,
      %max3A_126 = arith.maxsi %max3A_116, %get3A_125 : vector<16xi32>
      %get3A_127 = arith.constant 10 : i32
      %get3A_128 = arith.index_cast %get3A_127 : i32 to index
      %get3A_129 = arith.constant 0 : index
      %get3A_130 = tpu.vector_load %arg13[%get3A_128, %get3A_129] {strides = array<i32>} : memref<16x128xi32, #tpu.memory_space<vmem>>, vector<16xi32>,
      %add3A_131 = arith.addi %add3A_121, %get3A_130 : vector<16xi32>
      %get3A_132 = arith.constant 11 : i32
      %get3A_133 = arith.index_cast %get3A_132 : i32 to index
      %get3A_134 = arith.constant 0 : index
      %get3A_135 = tpu.vector_load %arg12[%get3A_133, %get3A_134] {strides = array<i32>} : memref<16x128xi32, #tpu.memory_space<vmem>>, vector<16xi32>,
      %max3A_136 = arith.maxsi %max3A_126, %get3A_135 : vector<16xi32>
      %get3A_137 = arith.constant 11 : i32
      %get3A_138 = arith.index_cast %get3A_137 : i32 to index
      %get3A_139 = arith.constant 0 : index
      %get3A_140 = tpu.vector_load %arg13[%get3A_138, %get3A_139] {strides = array<i32>} : memref<16x128xi32, #tpu.memory_space<vmem>>, vector<16xi32>,
      %add3A_141 = arith.addi %add3A_131, %get3A_140 : vector<16xi32>
      %get3A_142 = arith.constant 12 : i32
      %get3A_143 = arith.index_cast %get3A_142 : i32 to index
      %get3A_144 = arith.constant 0 : index
      %get3A_145 = tpu.vector_load %arg12[%get3A_143, %get3A_144] {strides = array<i32>} : memref<16x128xi32, #tpu.memory_space<vmem>>, vector<16xi32>,
      %max3A_146 = arith.maxsi %max3A_136, %get3A_145 : vector<16xi32>
      %get3A_147 = arith.constant 12 : i32
      %get3A_148 = arith.index_cast %get3A_147 : i32 to index
      %get3A_149 = arith.constant 0 : index
      %get3A_150 = tpu.vector_load %arg13[%get3A_148, %get3A_149] {strides = array<i32>} : memref<16x128xi32, #tpu.memory_space<vmem>>, vector<16xi32>,
      %add3A_151 = arith.addi %add3A_141, %get3A_150 : vector<16xi32>
      %get3A_152 = arith.constant 13 : i32
      %get3A_153 = arith.index_cast %get3A_152 : i32 to index
      %get3A_154 = arith.constant 0 : index
      %get3A_155 = tpu.vector_load %arg12[%get3A_153, %get3A_154] {strides = array<i32>} : memref<16x128xi32, #tpu.memory_space<vmem>>, vector<16xi32>,
      %max3A_156 = arith.maxsi %max3A_146, %get3A_155 : vector<16xi32>
      %get3A_157 = arith.constant 13 : i32
      %get3A_158 = arith.index_cast %get3A_157 : i32 to index
      %get3A_159 = arith.constant 0 : index
      %get3A_160 = tpu.vector_load %arg13[%get3A_158, %get3A_159] {strides = array<i32>} : memref<16x128xi32, #tpu.memory_space<vmem>>, vector<16xi32>,
      %add3A_161 = arith.addi %add3A_151, %get3A_160 : vector<16xi32>
      %get3A_162 = arith.constant 14 : i32
      %get3A_163 = arith.index_cast %get3A_162 : i32 to index
      %get3A_164 = arith.constant 0 : index
      %get3A_165 = tpu.vector_load %arg12[%get3A_163, %get3A_164] {strides = array<i32>} : memref<16x128xi32, #tpu.memory_space<vmem>>, vector<16xi32>,
      %max3A_166 = arith.maxsi %max3A_156, %get3A_165 : vector<16xi32>
      %get3A_167 = arith.constant 14 : i32
      %get3A_168 = arith.index_cast %get3A_167 : i32 to index
      %get3A_169 = arith.constant 0 : index
      %get3A_170 = tpu.vector_load %arg13[%get3A_168, %get3A_169] {strides = array<i32>} : memref<16x128xi32, #tpu.memory_space<vmem>>, vector<16xi32>,
      %add3A_171 = arith.addi %add3A_161, %get3A_170 : vector<16xi32>
      %get3A_172 = arith.constant 15 : i32
      %get3A_173 = arith.index_cast %get3A_172 : i32 to index
      %get3A_174 = arith.constant 0 : index
      %get3A_175 = tpu.vector_load %arg12[%get3A_173, %get3A_174] {strides = array<i32>} : memref<16x128xi32, #tpu.memory_space<vmem>>, vector<16xi32>,
      %max3A_176 = arith.maxsi %max3A_166, %get3A_175 : vector<16xi32>
      %get3A_177 = arith.constant 15 : i32
      %get3A_178 = arith.index_cast %get3A_177 : i32 to index
      %get3A_179 = arith.constant 0 : index
      %get3A_180 = tpu.vector_load %arg13[%get3A_178, %get3A_179] {strides = array<i32>} : memref<16x128xi32, #tpu.memory_space<vmem>>, vector<16xi32>,
      %add3A_181 = arith.addi %add3A_171, %get3A_180 : vector<16xi32>
      %swap3A = arith.constant 0 : index
      %swap3A_182 = tpu.vector_load %arg14[%swap3A] {strides = array<i32>} : memref<128xi32, #tpu.memory_space<vmem>>, vector<16xi32>,
      tpu.vector_store %arg14[%swap3A], %max3A_176 {strides = array<i32>} : memref<128xi32, #tpu.memory_space<vmem>>, vector<16xi32>,
      %swap3A_183 = arith.constant 0 : index
      %swap3A_184 = tpu.vector_load %arg15[%swap3A_183] {strides = array<i32>} : memref<128xi32, #tpu.memory_space<vmem>>, vector<16xi32>,
      tpu.vector_store %arg15[%swap3A_183], %add3A_181 {strides = array<i32>} : memref<128xi32, #tpu.memory_space<vmem>>, vector<16xi32>,
      %max3A_185 = arith.maxsi %max3A_176, %broadcast_in_dim3A_6 : vector<16xi32>
      %broadcast_in_dim3A_186 = arith.constant 1048575 : i32
      %broadcast_in_dim3A_187 = vector.broadcast %broadcast_in_dim3A_186 : i32 to vector<16xi32>
      %min3A = arith.minsi %max3A_185, %broadcast_in_dim3A_187 : vector<16xi32>
      %swap3A_188 = arith.constant 0 : index
      %swap3A_189 = tpu.vector_load %arg16[%swap3A_188] {strides = array<i32>} : memref<128xi32, #tpu.memory_space<vmem>>, vector<16xi32>,
      tpu.vector_store %arg16[%swap3A_188], %min3A {strides = array<i32>} : memref<128xi32, #tpu.memory_space<vmem>>, vector<16xi32>,
      %get3A_190 = arith.constant 0 : i32
      %get3A_191 = arith.index_cast %get3A_190 : i32 to index
      %get3A_192 = arith.constant 16 : index
      %get3A_193 = tpu.vector_load %arg12[%get3A_191, %get3A_192] {strides = array<i32>} : memref<16x128xi32, #tpu.memory_space<vmem>>, vector<16xi32>,
      %get3A_194 = arith.constant 0 : i32
      %get3A_195 = arith.index_cast %get3A_194 : i32 to index
      %get3A_196 = arith.constant 16 : index
      %get3A_197 = tpu.vector_load %arg13[%get3A_195, %get3A_196] {strides = array<i32>} : memref<16x128xi32, #tpu.memory_space<vmem>>, vector<16xi32>,
      %get3A_198 = arith.constant 1 : i32
      %get3A_199 = arith.index_cast %get3A_198 : i32 to index
      %get3A_200 = arith.constant 16 : index
      %get3A_201 = tpu.vector_load %arg12[%get3A_199, %get3A_200] {strides = array<i32>} : memref<16x128xi32, #tpu.memory_space<vmem>>, vector<16xi32>,
      %max3A_202 = arith.maxsi %get3A_193, %get3A_201 : vector<16xi32>
      %get3A_203 = arith.constant 1 : i32
      %get3A_204 = arith.index_cast %get3A_203 : i32 to index
      %get3A_205 = arith.constant 16 : index
      %get3A_206 = tpu.vector_load %arg13[%get3A_204, %get3A_205] {strides = array<i32>} : memref<16x128xi32, #tpu.memory_space<vmem>>, vector<16xi32>,
      %add3A_207 = arith.addi %get3A_197, %get3A_206 : vector<16xi32>
      %get3A_208 = arith.constant 2 : i32
      %get3A_209 = arith.index_cast %get3A_208 : i32 to index
      %get3A_210 = arith.constant 16 : index
      %get3A_211 = tpu.vector_load %arg12[%get3A_209, %get3A_210] {strides = array<i32>} : memref<16x128xi32, #tpu.memory_space<vmem>>, vector<16xi32>,
      %max3A_212 = arith.maxsi %max3A_202, %get3A_211 : vector<16xi32>
      %get3A_213 = arith.constant 2 : i32
      %get3A_214 = arith.index_cast %get3A_213 : i32 to index
      %get3A_215 = arith.constant 16 : index
      %get3A_216 = tpu.vector_load %arg13[%get3A_214, %get3A_215] {strides = array<i32>} : memref<16x128xi32, #tpu.memory_space<vmem>>, vector<16xi32>,
      %add3A_217 = arith.addi %add3A_207, %get3A_216 : vector<16xi32>
      %get3A_218 = arith.constant 3 : i32
      %get3A_219 = arith.index_cast %get3A_218 : i32 to index
      %get3A_220 = arith.constant 16 : index
      %get3A_221 = tpu.vector_load %arg12[%get3A_219, %get3A_220] {strides = array<i32>} : memref<16x128xi32, #tpu.memory_space<vmem>>, vector<16xi32>,
      %max3A_222 = arith.maxsi %max3A_212, %get3A_221 : vector<16xi32>
      %get3A_223 = arith.constant 3 : i32
      %get3A_224 = arith.index_cast %get3A_223 : i32 to index
      %get3A_225 = arith.constant 16 : index
      %get3A_226 = tpu.vector_load %arg13[%get3A_224, %get3A_225] {strides = array<i32>} : memref<16x128xi32, #tpu.memory_space<vmem>>, vector<16xi32>,
      %add3A_227 = arith.addi %add3A_217, %get3A_226 : vector<16xi32>
      %get3A_228 = arith.constant 4 : i32
      %get3A_229 = arith.index_cast %get3A_228 : i32 to index
      %get3A_230 = arith.constant 16 : index
      %get3A_231 = tpu.vector_load %arg12[%get3A_229, %get3A_230] {strides = array<i32>} : memref<16x128xi32, #tpu.memory_space<vmem>>, vector<16xi32>,
      %max3A_232 = arith.maxsi %max3A_222, %get3A_231 : vector<16xi32>
      %get3A_233 = arith.constant 4 : i32
      %get3A_234 = arith.index_cast %get3A_233 : i32 to index
      %get3A_235 = arith.constant 16 : index
      %get3A_236 = tpu.vector_load %arg13[%get3A_234, %get3A_235] {strides = array<i32>} : memref<16x128xi32, #tpu.memory_space<vmem>>, vector<16xi32>,
      %add3A_237 = arith.addi %add3A_227, %get3A_236 : vector<16xi32>
      %get3A_238 = arith.constant 5 : i32
      %get3A_239 = arith.index_cast %get3A_238 : i32 to index
      %get3A_240 = arith.constant 16 : index
      %get3A_241 = tpu.vector_load %arg12[%get3A_239, %get3A_240] {strides = array<i32>} : memref<16x128xi32, #tpu.memory_space<vmem>>, vector<16xi32>,
      %max3A_242 = arith.maxsi %max3A_232, %get3A_241 : vector<16xi32>
      %get3A_243 = arith.constant 5 : i32
      %get3A_244 = arith.index_cast %get3A_243 : i32 to index
      %get3A_245 = arith.constant 16 : index
      %get3A_246 = tpu.vector_load %arg13[%get3A_244, %get3A_245] {strides = array<i32>} : memref<16x128xi32, #tpu.memory_space<vmem>>, vector<16xi32>,
      %add3A_247 = arith.addi %add3A_237, %get3A_246 : vector<16xi32>
      %get3A_248 = arith.constant 6 : i32
      %get3A_249 = arith.index_cast %get3A_248 : i32 to index
      %get3A_250 = arith.constant 16 : index
      %get3A_251 = tpu.vector_load %arg12[%get3A_249, %get3A_250] {strides = array<i32>} : memref<16x128xi32, #tpu.memory_space<vmem>>, vector<16xi32>,
      %max3A_252 = arith.maxsi %max3A_242, %get3A_251 : vector<16xi32>
      %get3A_253 = arith.constant 6 : i32
      %get3A_254 = arith.index_cast %get3A_253 : i32 to index
      %get3A_255 = arith.constant 16 : index
      %get3A_256 = tpu.vector_load %arg13[%get3A_254, %get3A_255] {strides = array<i32>} : memref<16x128xi32, #tpu.memory_space<vmem>>, vector<16xi32>,
      %add3A_257 = arith.addi %add3A_247, %get3A_256 : vector<16xi32>
      %get3A_258 = arith.constant 7 : i32
      %get3A_259 = arith.index_cast %get3A_258 : i32 to index
      %get3A_260 = arith.constant 16 : index
      %get3A_261 = tpu.vector_load %arg12[%get3A_259, %get3A_260] {strides = array<i32>} : memref<16x128xi32, #tpu.memory_space<vmem>>, vector<16xi32>,
      %max3A_262 = arith.maxsi %max3A_252, %get3A_261 : vector<16xi32>
      %get3A_263 = arith.constant 7 : i32
      %get3A_264 = arith.index_cast %get3A_263 : i32 to index
      %get3A_265 = arith.constant 16 : index
      %get3A_266 = tpu.vector_load %arg13[%get3A_264, %get3A_265] {strides = array<i32>} : memref<16x128xi32, #tpu.memory_space<vmem>>, vector<16xi32>,
      %add3A_267 = arith.addi %add3A_257, %get3A_266 : vector<16xi32>
      %get3A_268 = arith.constant 8 : i32
      %get3A_269 = arith.index_cast %get3A_268 : i32 to index
      %get3A_270 = arith.constant 16 : index
      %get3A_271 = tpu.vector_load %arg12[%get3A_269, %get3A_270] {strides = array<i32>} : memref<16x128xi32, #tpu.memory_space<vmem>>, vector<16xi32>,
      %max3A_272 = arith.maxsi %max3A_262, %get3A_271 : vector<16xi32>
      %get3A_273 = arith.constant 8 : i32
      %get3A_274 = arith.index_cast %get3A_273 : i32 to index
      %get3A_275 = arith.constant 16 : index
      %get3A_276 = tpu.vector_load %arg13[%get3A_274, %get3A_275] {strides = array<i32>} : memref<16x128xi32, #tpu.memory_space<vmem>>, vector<16xi32>,
      %add3A_277 = arith.addi %add3A_267, %get3A_276 : vector<16xi32>
      %get3A_278 = arith.constant 9 : i32
      %get3A_279 = arith.index_cast %get3A_278 : i32 to index
      %get3A_280 = arith.constant 16 : index
      %get3A_281 = tpu.vector_load %arg12[%get3A_279, %get3A_280] {strides = array<i32>} : memref<16x128xi32, #tpu.memory_space<vmem>>, vector<16xi32>,
      %max3A_282 = arith.maxsi %max3A_272, %get3A_281 : vector<16xi32>
      %get3A_283 = arith.constant 9 : i32
      %get3A_284 = arith.index_cast %get3A_283 : i32 to index
      %get3A_285 = arith.constant 16 : index
      %get3A_286 = tpu.vector_load %arg13[%get3A_284, %get3A_285] {strides = array<i32>} : memref<16x128xi32, #tpu.memory_space<vmem>>, vector<16xi32>,
      %add3A_287 = arith.addi %add3A_277, %get3A_286 : vector<16xi32>
      %get3A_288 = arith.constant 10 : i32
      %get3A_289 = arith.index_cast %get3A_288 : i32 to index
      %get3A_290 = arith.constant 16 : index
      %get3A_291 = tpu.vector_load %arg12[%get3A_289, %get3A_290] {strides = array<i32>} : memref<16x128xi32, #tpu.memory_space<vmem>>, vector<16xi32>,
      %max3A_292 = arith.maxsi %max3A_282, %get3A_291 : vector<16xi32>
      %get3A_293 = arith.constant 10 : i32
      %get3A_294 = arith.index_cast %get3A_293 : i32 to index
      %get3A_295 = arith.constant 16 : index
      %get3A_296 = tpu.vector_load %arg13[%get3A_294, %get3A_295] {strides = array<i32>} : memref<16x128xi32, #tpu.memory_space<vmem>>, vector<16xi32>,
      %add3A_297 = arith.addi %add3A_287, %get3A_296 : vector<16xi32>
      %get3A_298 = arith.constant 11 : i32
      %get3A_299 = arith.index_cast %get3A_298 : i32 to index
      %get3A_300 = arith.constant 16 : index
      %get3A_301 = tpu.vector_load %arg12[%get3A_299, %get3A_300] {strides = array<i32>} : memref<16x128xi32, #tpu.memory_space<vmem>>, vector<16xi32>,
      %max3A_302 = arith.maxsi %max3A_292, %get3A_301 : vector<16xi32>
      %get3A_303 = arith.constant 11 : i32
      %get3A_304 = arith.index_cast %get3A_303 : i32 to index
      %get3A_305 = arith.constant 16 : index
      %get3A_306 = tpu.vector_load %arg13[%get3A_304, %get3A_305] {strides = array<i32>} : memref<16x128xi32, #tpu.memory_space<vmem>>, vector<16xi32>,
      %add3A_307 = arith.addi %add3A_297, %get3A_306 : vector<16xi32>
      %get3A_308 = arith.constant 12 : i32
      %get3A_309 = arith.index_cast %get3A_308 : i32 to index
      %get3A_310 = arith.constant 16 : index
      %get3A_311 = tpu.vector_load %arg12[%get3A_309, %get3A_310] {strides = array<i32>} : memref<16x128xi32, #tpu.memory_space<vmem>>, vector<16xi32>,
      %max3A_312 = arith.maxsi %max3A_302, %get3A_311 : vector<16xi32>
      %get3A_313 = arith.constant 12 : i32
      %get3A_314 = arith.index_cast %get3A_313 : i32 to index
      %get3A_315 = arith.constant 16 : index
      %get3A_316 = tpu.vector_load %arg13[%get3A_314, %get3A_315] {strides = array<i32>} : memref<16x128xi32, #tpu.memory_space<vmem>>, vector<16xi32>,
      %add3A_317 = arith.addi %add3A_307, %get3A_316 : vector<16xi32>
      %get3A_318 = arith.constant 13 : i32
      %get3A_319 = arith.index_cast %get3A_318 : i32 to index
      %get3A_320 = arith.constant 16 : index
      %get3A_321 = tpu.vector_load %arg12[%get3A_319, %get3A_320] {strides = array<i32>} : memref<16x128xi32, #tpu.memory_space<vmem>>, vector<16xi32>,
      %max3A_322 = arith.maxsi %max3A_312, %get3A_321 : vector<16xi32>
      %get3A_323 = arith.constant 13 : i32
      %get3A_324 = arith.index_cast %get3A_323 : i32 to index
      %get3A_325 = arith.constant 16 : index
      %get3A_326 = tpu.vector_load %arg13[%get3A_324, %get3A_325] {strides = array<i32>} : memref<16x128xi32, #tpu.memory_space<vmem>>, vector<16xi32>,
      %add3A_327 = arith.addi %add3A_317, %get3A_326 : vector<16xi32>
      %get3A_328 = arith.constant 14 : i32
      %get3A_329 = arith.index_cast %get3A_328 : i32 to index
      %get3A_330 = arith.constant 16 : index
      %get3A_331 = tpu.vector_load %arg12[%get3A_329, %get3A_330] {strides = array<i32>} : memref<16x128xi32, #tpu.memory_space<vmem>>, vector<16xi32>,
      %max3A_332 = arith.maxsi %max3A_322, %get3A_331 : vector<16xi32>
      %get3A_333 = arith.constant 14 : i32
      %get3A_334 = arith.index_cast %get3A_333 : i32 to index
      %get3A_335 = arith.constant 16 : index
      %get3A_336 = tpu.vector_load %arg13[%get3A_334, %get3A_335] {strides = array<i32>} : memref<16x128xi32, #tpu.memory_space<vmem>>, vector<16xi32>,
      %add3A_337 = arith.addi %add3A_327, %get3A_336 : vector<16xi32>
      %get3A_338 = arith.constant 15 : i32
      %get3A_339 = arith.index_cast %get3A_338 : i32 to index
      %get3A_340 = arith.constant 16 : index
      %get3A_341 = tpu.vector_load %arg12[%get3A_339, %get3A_340] {strides = array<i32>} : memref<16x128xi32, #tpu.memory_space<vmem>>, vector<16xi32>,
      %max3A_342 = arith.maxsi %max3A_332, %get3A_341 : vector<16xi32>
      %get3A_343 = arith.constant 15 : i32
      %get3A_344 = arith.index_cast %get3A_343 : i32 to index
      %get3A_345 = arith.constant 16 : index
      %get3A_346 = tpu.vector_load %arg13[%get3A_344, %get3A_345] {strides = array<i32>} : memref<16x128xi32, #tpu.memory_space<vmem>>, vector<16xi32>,
      %add3A_347 = arith.addi %add3A_337, %get3A_346 : vector<16xi32>
      %swap3A_348 = arith.constant 16 : index
      %swap3A_349 = tpu.vector_load %arg14[%swap3A_348] {strides = array<i32>} : memref<128xi32, #tpu.memory_space<vmem>>, vector<16xi32>,
      tpu.vector_store %arg14[%swap3A_348], %max3A_342 {strides = array<i32>} : memref<128xi32, #tpu.memory_space<vmem>>, vector<16xi32>,
      %swap3A_350 = arith.constant 16 : index
      %swap3A_351 = tpu.vector_load %arg15[%swap3A_350] {strides = array<i32>} : memref<128xi32, #tpu.memory_space<vmem>>, vector<16xi32>,
      tpu.vector_store %arg15[%swap3A_350], %add3A_347 {strides = array<i32>} : memref<128xi32, #tpu.memory_space<vmem>>, vector<16xi32>,
      %max3A_352 = arith.maxsi %max3A_342, %broadcast_in_dim3A_6 : vector<16xi32>
      %broadcast_in_dim3A_353 = arith.constant 1048575 : i32
      %broadcast_in_dim3A_354 = vector.broadcast %broadcast_in_dim3A_353 : i32 to vector<16xi32>
      %min3A_355 = arith.minsi %max3A_352, %broadcast_in_dim3A_354 : vector<16xi32>
      %swap3A_356 = arith.constant 16 : index
      %swap3A_357 = tpu.vector_load %arg16[%swap3A_356] {strides = array<i32>} : memref<128xi32, #tpu.memory_space<vmem>>, vector<16xi32>,
      tpu.vector_store %arg16[%swap3A_356], %min3A_355 {strides = array<i32>} : memref<128xi32, #tpu.memory_space<vmem>>, vector<16xi32>,
      %get3A_358 = arith.constant 0 : i32
      %get3A_359 = arith.index_cast %get3A_358 : i32 to index
      %get3A_360 = arith.constant 32 : index
      %get3A_361 = tpu.vector_load %arg12[%get3A_359, %get3A_360] {strides = array<i32>} : memref<16x128xi32, #tpu.memory_space<vmem>>, vector<16xi32>,
      %get3A_362 = arith.constant 0 : i32
      %get3A_363 = arith.index_cast %get3A_362 : i32 to index
      %get3A_364 = arith.constant 32 : index
      %get3A_365 = tpu.vector_load %arg13[%get3A_363, %get3A_364] {strides = array<i32>} : memref<16x128xi32, #tpu.memory_space<vmem>>, vector<16xi32>,
      %get3A_366 = arith.constant 1 : i32
      %get3A_367 = arith.index_cast %get3A_366 : i32 to index
      %get3A_368 = arith.constant 32 : index
      %get3A_369 = tpu.vector_load %arg12[%get3A_367, %get3A_368] {strides = array<i32>} : memref<16x128xi32, #tpu.memory_space<vmem>>, vector<16xi32>,
      %max3A_370 = arith.maxsi %get3A_361, %get3A_369 : vector<16xi32>
      %get3A_371 = arith.constant 1 : i32
      %get3A_372 = arith.index_cast %get3A_371 : i32 to index
      %get3A_373 = arith.constant 32 : index
      %get3A_374 = tpu.vector_load %arg13[%get3A_372, %get3A_373] {strides = array<i32>} : memref<16x128xi32, #tpu.memory_space<vmem>>, vector<16xi32>,
      %add3A_375 = arith.addi %get3A_365, %get3A_374 : vector<16xi32>
      %get3A_376 = arith.constant 2 : i32
      %get3A_377 = arith.index_cast %get3A_376 : i32 to index
      %get3A_378 = arith.constant 32 : index
      %get3A_379 = tpu.vector_load %arg12[%get3A_377, %get3A_378] {strides = array<i32>} : memref<16x128xi32, #tpu.memory_space<vmem>>, vector<16xi32>,
      %max3A_380 = arith.maxsi %max3A_370, %get3A_379 : vector<16xi32>
      %get3A_381 = arith.constant 2 : i32
      %get3A_382 = arith.index_cast %get3A_381 : i32 to index
      %get3A_383 = arith.constant 32 : index
      %get3A_384 = tpu.vector_load %arg13[%get3A_382, %get3A_383] {strides = array<i32>} : memref<16x128xi32, #tpu.memory_space<vmem>>, vector<16xi32>,
      %add3A_385 = arith.addi %add3A_375, %get3A_384 : vector<16xi32>
      %get3A_386 = arith.constant 3 : i32
      %get3A_387 = arith.index_cast %get3A_386 : i32 to index
      %get3A_388 = arith.constant 32 : index
      %get3A_389 = tpu.vector_load %arg12[%get3A_387, %get3A_388] {strides = array<i32>} : memref<16x128xi32, #tpu.memory_space<vmem>>, vector<16xi32>,
      %max3A_390 = arith.maxsi %max3A_380, %get3A_389 : vector<16xi32>
      %get3A_391 = arith.constant 3 : i32
      %get3A_392 = arith.index_cast %get3A_391 : i32 to index
      %get3A_393 = arith.constant 32 : index
      %get3A_394 = tpu.vector_load %arg13[%get3A_392, %get3A_393] {strides = array<i32>} : memref<16x128xi32, #tpu.memory_space<vmem>>, vector<16xi32>,
      %add3A_395 = arith.addi %add3A_385, %get3A_394 : vector<16xi32>
      %get3A_396 = arith.constant 4 : i32
      %get3A_397 = arith.index_cast %get3A_396 : i32 to index
      %get3A_398 = arith.constant 32 : index
      %get3A_399 = tpu.vector_load %arg12[%get3A_397, %get3A_398] {strides = array<i32>} : memref<16x128xi32, #tpu.memory_space<vmem>>, vector<16xi32>,
      %max3A_400 = arith.maxsi %max3A_390, %get3A_399 : vector<16xi32>
      %get3A_401 = arith.constant 4 : i32
      %get3A_402 = arith.index_cast %get3A_401 : i32 to index
      %get3A_403 = arith.constant 32 : index
      %get3A_404 = tpu.vector_load %arg13[%get3A_402, %get3A_403] {strides = array<i32>} : memref<16x128xi32, #tpu.memory_space<vmem>>, vector<16xi32>,
      %add3A_405 = arith.addi %add3A_395, %get3A_404 : vector<16xi32>
      %get3A_406 = arith.constant 5 : i32
      %get3A_407 = arith.index_cast %get3A_406 : i32 to index
      %get3A_408 = arith.constant 32 : index
      %get3A_409 = tpu.vector_load %arg12[%get3A_407, %get3A_408] {strides = array<i32>} : memref<16x128xi32, #tpu.memory_space<vmem>>, vector<16xi32>,
      %max3A_410 = arith.maxsi %max3A_400, %get3A_409 : vector<16xi32>
      %get3A_411 = arith.constant 5 : i32
      %get3A_412 = arith.index_cast %get3A_411 : i32 to index
      %get3A_413 = arith.constant 32 : index
      %get3A_414 = tpu.vector_load %arg13[%get3A_412, %get3A_413] {strides = array<i32>} : memref<16x128xi32, #tpu.memory_space<vmem>>, vector<16xi32>,
      %add3A_415 = arith.addi %add3A_405, %get3A_414 : vector<16xi32>
      %get3A_416 = arith.constant 6 : i32
      %get3A_417 = arith.index_cast %get3A_416 : i32 to index
      %get3A_418 = arith.constant 32 : index
      %get3A_419 = tpu.vector_load %arg12[%get3A_417, %get3A_418] {strides = array<i32>} : memref<16x128xi32, #tpu.memory_space<vmem>>, vector<16xi32>,
      %max3A_420 = arith.maxsi %max3A_410, %get3A_419 : vector<16xi32>
      %get3A_421 = arith.constant 6 : i32
      %get3A_422 = arith.index_cast %get3A_421 : i32 to index
      %get3A_423 = arith.constant 32 : index
      %get3A_424 = tpu.vector_load %arg13[%get3A_422, %get3A_423] {strides = array<i32>} : memref<16x128xi32, #tpu.memory_space<vmem>>, vector<16xi32>,
      %add3A_425 = arith.addi %add3A_415, %get3A_424 : vector<16xi32>
      %get3A_426 = arith.constant 7 : i32
      %get3A_427 = arith.index_cast %get3A_426 : i32 to index
      %get3A_428 = arith.constant 32 : index
      %get3A_429 = tpu.vector_load %arg12[%get3A_427, %get3A_428] {strides = array<i32>} : memref<16x128xi32, #tpu.memory_space<vmem>>, vector<16xi32>,
      %max3A_430 = arith.maxsi %max3A_420, %get3A_429 : vector<16xi32>
      %get3A_431 = arith.constant 7 : i32
      %get3A_432 = arith.index_cast %get3A_431 : i32 to index
      %get3A_433 = arith.constant 32 : index
      %get3A_434 = tpu.vector_load %arg13[%get3A_432, %get3A_433] {strides = array<i32>} : memref<16x128xi32, #tpu.memory_space<vmem>>, vector<16xi32>,
      %add3A_435 = arith.addi %add3A_425, %get3A_434 : vector<16xi32>
      %get3A_436 = arith.constant 8 : i32
      %get3A_437 = arith.index_cast %get3A_436 : i32 to index
      %get3A_438 = arith.constant 32 : index
      %get3A_439 = tpu.vector_load %arg12[%get3A_437, %get3A_438] {strides = array<i32>} : memref<16x128xi32, #tpu.memory_space<vmem>>, vector<16xi32>,
      %max3A_440 = arith.maxsi %max3A_430, %get3A_439 : vector<16xi32>
      %get3A_441 = arith.constant 8 : i32
      %get3A_442 = arith.index_cast %get3A_441 : i32 to index
      %get3A_443 = arith.constant 32 : index
      %get3A_444 = tpu.vector_load %arg13[%get3A_442, %get3A_443] {strides = array<i32>} : memref<16x128xi32, #tpu.memory_space<vmem>>, vector<16xi32>,
      %add3A_445 = arith.addi %add3A_435, %get3A_444 : vector<16xi32>
      %get3A_446 = arith.constant 9 : i32
      %get3A_447 = arith.index_cast %get3A_446 : i32 to index
      %get3A_448 = arith.constant 32 : index
      %get3A_449 = tpu.vector_load %arg12[%get3A_447, %get3A_448] {strides = array<i32>} : memref<16x128xi32, #tpu.memory_space<vmem>>, vector<16xi32>,
      %max3A_450 = arith.maxsi %max3A_440, %get3A_449 : vector<16xi32>
      %get3A_451 = arith.constant 9 : i32
      %get3A_452 = arith.index_cast %get3A_451 : i32 to index
      %get3A_453 = arith.constant 32 : index
      %get3A_454 = tpu.vector_load %arg13[%get3A_452, %get3A_453] {strides = array<i32>} : memref<16x128xi32, #tpu.memory_space<vmem>>, vector<16xi32>,
      %add3A_455 = arith.addi %add3A_445, %get3A_454 : vector<16xi32>
      %get3A_456 = arith.constant 10 : i32
      %get3A_457 = arith.index_cast %get3A_456 : i32 to index
      %get3A_458 = arith.constant 32 : index
      %get3A_459 = tpu.vector_load %arg12[%get3A_457, %get3A_458] {strides = array<i32>} : memref<16x128xi32, #tpu.memory_space<vmem>>, vector<16xi32>,
      %max3A_460 = arith.maxsi %max3A_450, %get3A_459 : vector<16xi32>
      %get3A_461 = arith.constant 10 : i32
      %get3A_462 = arith.index_cast %get3A_461 : i32 to index
      %get3A_463 = arith.constant 32 : index
      %get3A_464 = tpu.vector_load %arg13[%get3A_462, %get3A_463] {strides = array<i32>} : memref<16x128xi32, #tpu.memory_space<vmem>>, vector<16xi32>,
      %add3A_465 = arith.addi %add3A_455, %get3A_464 : vector<16xi32>
      %get3A_466 = arith.constant 11 : i32
      %get3A_467 = arith.index_cast %get3A_466 : i32 to index
      %get3A_468 = arith.constant 32 : index
      %get3A_469 = tpu.vector_load %arg12[%get3A_467, %get3A_468] {strides = array<i32>} : memref<16x128xi32, #tpu.memory_space<vmem>>, vector<16xi32>,
      %max3A_470 = arith.maxsi %max3A_460, %get3A_469 : vector<16xi32>
      %get3A_471 = arith.constant 11 : i32
      %get3A_472 = arith.index_cast %get3A_471 : i32 to index
      %get3A_473 = arith.constant 32 : index
      %get3A_474 = tpu.vector_load %arg13[%get3A_472, %get3A_473] {strides = array<i32>} : memref<16x128xi32, #tpu.memory_space<vmem>>, vector<16xi32>,
      %add3A_475 = arith.addi %add3A_465, %get3A_474 : vector<16xi32>
      %get3A_476 = arith.constant 12 : i32
      %get3A_477 = arith.index_cast %get3A_476 : i32 to index
      %get3A_478 = arith.constant 32 : index
      %get3A_479 = tpu.vector_load %arg12[%get3A_477, %get3A_478] {strides = array<i32>} : memref<16x128xi32, #tpu.memory_space<vmem>>, vector<16xi32>,
      %max3A_480 = arith.maxsi %max3A_470, %get3A_479 : vector<16xi32>
      %get3A_481 = arith.constant 12 : i32
      %get3A_482 = arith.index_cast %get3A_481 : i32 to index
      %get3A_483 = arith.constant 32 : index
      %get3A_484 = tpu.vector_load %arg13[%get3A_482, %get3A_483] {strides = array<i32>} : memref<16x128xi32, #tpu.memory_space<vmem>>, vector<16xi32>,
      %add3A_485 = arith.addi %add3A_475, %get3A_484 : vector<16xi32>
      %get3A_486 = arith.constant 13 : i32
      %get3A_487 = arith.index_cast %get3A_486 : i32 to index
      %get3A_488 = arith.constant 32 : index
      %get3A_489 = tpu.vector_load %arg12[%get3A_487, %get3A_488] {strides = array<i32>} : memref<16x128xi32, #tpu.memory_space<vmem>>, vector<16xi32>,
      %max3A_490 = arith.maxsi %max3A_480, %get3A_489 : vector<16xi32>
      %get3A_491 = arith.constant 13 : i32
      %get3A_492 = arith.index_cast %get3A_491 : i32 to index
      %get3A_493 = arith.constant 32 : index
      %get3A_494 = tpu.vector_load %arg13[%get3A_492, %get3A_493] {strides = array<i32>} : memref<16x128xi32, #tpu.memory_space<vmem>>, vector<16xi32>,
      %add3A_495 = arith.addi %add3A_485, %get3A_494 : vector<16xi32>
      %get3A_496 = arith.constant 14 : i32
      %get3A_497 = arith.index_cast %get3A_496 : i32 to index
      %get3A_498 = arith.constant 32 : index
      %get3A_499 = tpu.vector_load %arg12[%get3A_497, %get3A_498] {strides = array<i32>} : memref<16x128xi32, #tpu.memory_space<vmem>>, vector<16xi32>,
      %max3A_500 = arith.maxsi %max3A_490, %get3A_499 : vector<16xi32>
      %get3A_501 = arith.constant 14 : i32
      %get3A_502 = arith.index_cast %get3A_501 : i32 to index
      %get3A_503 = arith.constant 32 : index
      %get3A_504 = tpu.vector_load %arg13[%get3A_502, %get3A_503] {strides = array<i32>} : memref<16x128xi32, #tpu.memory_space<vmem>>, vector<16xi32>,
      %add3A_505 = arith.addi %add3A_495, %get3A_504 : vector<16xi32>
      %get3A_506 = arith.constant 15 : i32
      %get3A_507 = arith.index_cast %get3A_506 : i32 to index
      %get3A_508 = arith.constant 32 : index
      %get3A_509 = tpu.vector_load %arg12[%get3A_507, %get3A_508] {strides = array<i32>} : memref<16x128xi32, #tpu.memory_space<vmem>>, vector<16xi32>,
      %max3A_510 = arith.maxsi %max3A_500, %get3A_509 : vector<16xi32>
      %get3A_511 = arith.constant 15 : i32
      %get3A_512 = arith.index_cast %get3A_511 : i32 to index
      %get3A_513 = arith.constant 32 : index
      %get3A_514 = tpu.vector_load %arg13[%get3A_512, %get3A_513] {strides = array<i32>} : memref<16x128xi32, #tpu.memory_space<vmem>>, vector<16xi32>,
      %add3A_515 = arith.addi %add3A_505, %get3A_514 : vector<16xi32>
      %swap3A_516 = arith.constant 32 : index
      %swap3A_517 = tpu.vector_load %arg14[%swap3A_516] {strides = array<i32>} : memref<128xi32, #tpu.memory_space<vmem>>, vector<16xi32>,
      tpu.vector_store %arg14[%swap3A_516], %max3A_510 {strides = array<i32>} : memref<128xi32, #tpu.memory_space<vmem>>, vector<16xi32>,
      %swap3A_518 = arith.constant 32 : index
      %swap3A_519 = tpu.vector_load %arg15[%swap3A_518] {strides = array<i32>} : memref<128xi32, #tpu.memory_space<vmem>>, vector<16xi32>,
      tpu.vector_store %arg15[%swap3A_518], %add3A_515 {strides = array<i32>} : memref<128xi32, #tpu.memory_space<vmem>>, vector<16xi32>,
      %max3A_520 = arith.maxsi %max3A_510, %broadcast_in_dim3A_6 : vector<16xi32>
      %broadcast_in_dim3A_521 = arith.constant 1048575 : i32
      %broadcast_in_dim3A_522 = vector.broadcast %broadcast_in_dim3A_521 : i32 to vector<16xi32>
      %min3A_523 = arith.minsi %max3A_520, %broadcast_in_dim3A_522 : vector<16xi32>
      %swap3A_524 = arith.constant 32 : index
      %swap3A_525 = tpu.vector_load %arg16[%swap3A_524] {strides = array<i32>} : memref<128xi32, #tpu.memory_space<vmem>>, vector<16xi32>,
      tpu.vector_store %arg16[%swap3A_524], %min3A_523 {strides = array<i32>} : memref<128xi32, #tpu.memory_space<vmem>>, vector<16xi32>,
      %get3A_526 = arith.constant 0 : i32
      %get3A_527 = arith.index_cast %get3A_526 : i32 to index
      %get3A_528 = arith.constant 48 : index
      %get3A_529 = tpu.vector_load %arg12[%get3A_527, %get3A_528] {strides = array<i32>} : memref<16x128xi32, #tpu.memory_space<vmem>>, vector<16xi32>,
      %get3A_530 = arith.constant 0 : i32
      %get3A_531 = arith.index_cast %get3A_530 : i32 to index
      %get3A_532 = arith.constant 48 : index
      %get3A_533 = tpu.vector_load %arg13[%get3A_531, %get3A_532] {strides = array<i32>} : memref<16x128xi32, #tpu.memory_space<vmem>>, vector<16xi32>,
      %get3A_534 = arith.constant 1 : i32
      %get3A_535 = arith.index_cast %get3A_534 : i32 to index
      %get3A_536 = arith.constant 48 : index
      %get3A_537 = tpu.vector_load %arg12[%get3A_535, %get3A_536] {strides = array<i32>} : memref<16x128xi32, #tpu.memory_space<vmem>>, vector<16xi32>,
      %max3A_538 = arith.maxsi %get3A_529, %get3A_537 : vector<16xi32>
      %get3A_539 = arith.constant 1 : i32
      %get3A_540 = arith.index_cast %get3A_539 : i32 to index
      %get3A_541 = arith.constant 48 : index
      %get3A_542 = tpu.vector_load %arg13[%get3A_540, %get3A_541] {strides = array<i32>} : memref<16x128xi32, #tpu.memory_space<vmem>>, vector<16xi32>,
      %add3A_543 = arith.addi %get3A_533, %get3A_542 : vector<16xi32>
      %get3A_544 = arith.constant 2 : i32
      %get3A_545 = arith.index_cast %get3A_544 : i32 to index
      %get3A_546 = arith.constant 48 : index
      %get3A_547 = tpu.vector_load %arg12[%get3A_545, %get3A_546] {strides = array<i32>} : memref<16x128xi32, #tpu.memory_space<vmem>>, vector<16xi32>,
      %max3A_548 = arith.maxsi %max3A_538, %get3A_547 : vector<16xi32>
      %get3A_549 = arith.constant 2 : i32
      %get3A_550 = arith.index_cast %get3A_549 : i32 to index
      %get3A_551 = arith.constant 48 : index
      %get3A_552 = tpu.vector_load %arg13[%get3A_550, %get3A_551] {strides = array<i32>} : memref<16x128xi32, #tpu.memory_space<vmem>>, vector<16xi32>,
      %add3A_553 = arith.addi %add3A_543, %get3A_552 : vector<16xi32>
      %get3A_554 = arith.constant 3 : i32
      %get3A_555 = arith.index_cast %get3A_554 : i32 to index
      %get3A_556 = arith.constant 48 : index
      %get3A_557 = tpu.vector_load %arg12[%get3A_555, %get3A_556] {strides = array<i32>} : memref<16x128xi32, #tpu.memory_space<vmem>>, vector<16xi32>,
      %max3A_558 = arith.maxsi %max3A_548, %get3A_557 : vector<16xi32>
      %get3A_559 = arith.constant 3 : i32
      %get3A_560 = arith.index_cast %get3A_559 : i32 to index
      %get3A_561 = arith.constant 48 : index
      %get3A_562 = tpu.vector_load %arg13[%get3A_560, %get3A_561] {strides = array<i32>} : memref<16x128xi32, #tpu.memory_space<vmem>>, vector<16xi32>,
      %add3A_563 = arith.addi %add3A_553, %get3A_562 : vector<16xi32>
      %get3A_564 = arith.constant 4 : i32
      %get3A_565 = arith.index_cast %get3A_564 : i32 to index
      %get3A_566 = arith.constant 48 : index
      %get3A_567 = tpu.vector_load %arg12[%get3A_565, %get3A_566] {strides = array<i32>} : memref<16x128xi32, #tpu.memory_space<vmem>>, vector<16xi32>,
      %max3A_568 = arith.maxsi %max3A_558, %get3A_567 : vector<16xi32>
      %get3A_569 = arith.constant 4 : i32
      %get3A_570 = arith.index_cast %get3A_569 : i32 to index
      %get3A_571 = arith.constant 48 : index
      %get3A_572 = tpu.vector_load %arg13[%get3A_570, %get3A_571] {strides = array<i32>} : memref<16x128xi32, #tpu.memory_space<vmem>>, vector<16xi32>,
      %add3A_573 = arith.addi %add3A_563, %get3A_572 : vector<16xi32>
      %get3A_574 = arith.constant 5 : i32
      %get3A_575 = arith.index_cast %get3A_574 : i32 to index
      %get3A_576 = arith.constant 48 : index
      %get3A_577 = tpu.vector_load %arg12[%get3A_575, %get3A_576] {strides = array<i32>} : memref<16x128xi32, #tpu.memory_space<vmem>>, vector<16xi32>,
      %max3A_578 = arith.maxsi %max3A_568, %get3A_577 : vector<16xi32>
      %get3A_579 = arith.constant 5 : i32
      %get3A_580 = arith.index_cast %get3A_579 : i32 to index
      %get3A_581 = arith.constant 48 : index
      %get3A_582 = tpu.vector_load %arg13[%get3A_580, %get3A_581] {strides = array<i32>} : memref<16x128xi32, #tpu.memory_space<vmem>>, vector<16xi32>,
      %add3A_583 = arith.addi %add3A_573, %get3A_582 : vector<16xi32>
      %get3A_584 = arith.constant 6 : i32
      %get3A_585 = arith.index_cast %get3A_584 : i32 to index
      %get3A_586 = arith.constant 48 : index
      %get3A_587 = tpu.vector_load %arg12[%get3A_585, %get3A_586] {strides = array<i32>} : memref<16x128xi32, #tpu.memory_space<vmem>>, vector<16xi32>,
      %max3A_588 = arith.maxsi %max3A_578, %get3A_587 : vector<16xi32>
      %get3A_589 = arith.constant 6 : i32
      %get3A_590 = arith.index_cast %get3A_589 : i32 to index
      %get3A_591 = arith.constant 48 : index
      %get3A_592 = tpu.vector_load %arg13[%get3A_590, %get3A_591] {strides = array<i32>} : memref<16x128xi32, #tpu.memory_space<vmem>>, vector<16xi32>,
      %add3A_593 = arith.addi %add3A_583, %get3A_592 : vector<16xi32>
      %get3A_594 = arith.constant 7 : i32
      %get3A_595 = arith.index_cast %get3A_594 : i32 to index
      %get3A_596 = arith.constant 48 : index
      %get3A_597 = tpu.vector_load %arg12[%get3A_595, %get3A_596] {strides = array<i32>} : memref<16x128xi32, #tpu.memory_space<vmem>>, vector<16xi32>,
      %max3A_598 = arith.maxsi %max3A_588, %get3A_597 : vector<16xi32>
      %get3A_599 = arith.constant 7 : i32
      %get3A_600 = arith.index_cast %get3A_599 : i32 to index
      %get3A_601 = arith.constant 48 : index
      %get3A_602 = tpu.vector_load %arg13[%get3A_600, %get3A_601] {strides = array<i32>} : memref<16x128xi32, #tpu.memory_space<vmem>>, vector<16xi32>,
      %add3A_603 = arith.addi %add3A_593, %get3A_602 : vector<16xi32>
      %get3A_604 = arith.constant 8 : i32
      %get3A_605 = arith.index_cast %get3A_604 : i32 to index
      %get3A_606 = arith.constant 48 : index
      %get3A_607 = tpu.vector_load %arg12[%get3A_605, %get3A_606] {strides = array<i32>} : memref<16x128xi32, #tpu.memory_space<vmem>>, vector<16xi32>,
      %max3A_608 = arith.maxsi %max3A_598, %get3A_607 : vector<16xi32>
      %get3A_609 = arith.constant 8 : i32
      %get3A_610 = arith.index_cast %get3A_609 : i32 to index
      %get3A_611 = arith.constant 48 : index
      %get3A_612 = tpu.vector_load %arg13[%get3A_610, %get3A_611] {strides = array<i32>} : memref<16x128xi32, #tpu.memory_space<vmem>>, vector<16xi32>,
      %add3A_613 = arith.addi %add3A_603, %get3A_612 : vector<16xi32>
      %get3A_614 = arith.constant 9 : i32
      %get3A_615 = arith.index_cast %get3A_614 : i32 to index
      %get3A_616 = arith.constant 48 : index
      %get3A_617 = tpu.vector_load %arg12[%get3A_615, %get3A_616] {strides = array<i32>} : memref<16x128xi32, #tpu.memory_space<vmem>>, vector<16xi32>,
      %max3A_618 = arith.maxsi %max3A_608, %get3A_617 : vector<16xi32>
      %get3A_619 = arith.constant 9 : i32
      %get3A_620 = arith.index_cast %get3A_619 : i32 to index
      %get3A_621 = arith.constant 48 : index
      %get3A_622 = tpu.vector_load %arg13[%get3A_620, %get3A_621] {strides = array<i32>} : memref<16x128xi32, #tpu.memory_space<vmem>>, vector<16xi32>,
      %add3A_623 = arith.addi %add3A_613, %get3A_622 : vector<16xi32>
      %get3A_624 = arith.constant 10 : i32
      %get3A_625 = arith.index_cast %get3A_624 : i32 to index
      %get3A_626 = arith.constant 48 : index
      %get3A_627 = tpu.vector_load %arg12[%get3A_625, %get3A_626] {strides = array<i32>} : memref<16x128xi32, #tpu.memory_space<vmem>>, vector<16xi32>,
      %max3A_628 = arith.maxsi %max3A_618, %get3A_627 : vector<16xi32>
      %get3A_629 = arith.constant 10 : i32
      %get3A_630 = arith.index_cast %get3A_629 : i32 to index
      %get3A_631 = arith.constant 48 : index
      %get3A_632 = tpu.vector_load %arg13[%get3A_630, %get3A_631] {strides = array<i32>} : memref<16x128xi32, #tpu.memory_space<vmem>>, vector<16xi32>,
      %add3A_633 = arith.addi %add3A_623, %get3A_632 : vector<16xi32>
      %get3A_634 = arith.constant 11 : i32
      %get3A_635 = arith.index_cast %get3A_634 : i32 to index
      %get3A_636 = arith.constant 48 : index
      %get3A_637 = tpu.vector_load %arg12[%get3A_635, %get3A_636] {strides = array<i32>} : memref<16x128xi32, #tpu.memory_space<vmem>>, vector<16xi32>,
      %max3A_638 = arith.maxsi %max3A_628, %get3A_637 : vector<16xi32>
      %get3A_639 = arith.constant 11 : i32
      %get3A_640 = arith.index_cast %get3A_639 : i32 to index
      %get3A_641 = arith.constant 48 : index
      %get3A_642 = tpu.vector_load %arg13[%get3A_640, %get3A_641] {strides = array<i32>} : memref<16x128xi32, #tpu.memory_space<vmem>>, vector<16xi32>,
      %add3A_643 = arith.addi %add3A_633, %get3A_642 : vector<16xi32>
      %get3A_644 = arith.constant 12 : i32
      %get3A_645 = arith.index_cast %get3A_644 : i32 to index
      %get3A_646 = arith.constant 48 : index
      %get3A_647 = tpu.vector_load %arg12[%get3A_645, %get3A_646] {strides = array<i32>} : memref<16x128xi32, #tpu.memory_space<vmem>>, vector<16xi32>,
      %max3A_648 = arith.maxsi %max3A_638, %get3A_647 : vector<16xi32>
      %get3A_649 = arith.constant 12 : i32
      %get3A_650 = arith.index_cast %get3A_649 : i32 to index
      %get3A_651 = arith.constant 48 : index
      %get3A_652 = tpu.vector_load %arg13[%get3A_650, %get3A_651] {strides = array<i32>} : memref<16x128xi32, #tpu.memory_space<vmem>>, vector<16xi32>,
      %add3A_653 = arith.addi %add3A_643, %get3A_652 : vector<16xi32>
      %get3A_654 = arith.constant 13 : i32
      %get3A_655 = arith.index_cast %get3A_654 : i32 to index
      %get3A_656 = arith.constant 48 : index
      %get3A_657 = tpu.vector_load %arg12[%get3A_655, %get3A_656] {strides = array<i32>} : memref<16x128xi32, #tpu.memory_space<vmem>>, vector<16xi32>,
      %max3A_658 = arith.maxsi %max3A_648, %get3A_657 : vector<16xi32>
      %get3A_659 = arith.constant 13 : i32
      %get3A_660 = arith.index_cast %get3A_659 : i32 to index
      %get3A_661 = arith.constant 48 : index
      %get3A_662 = tpu.vector_load %arg13[%get3A_660, %get3A_661] {strides = array<i32>} : memref<16x128xi32, #tpu.memory_space<vmem>>, vector<16xi32>,
      %add3A_663 = arith.addi %add3A_653, %get3A_662 : vector<16xi32>
      %get3A_664 = arith.constant 14 : i32
      %get3A_665 = arith.index_cast %get3A_664 : i32 to index
      %get3A_666 = arith.constant 48 : index
      %get3A_667 = tpu.vector_load %arg12[%get3A_665, %get3A_666] {strides = array<i32>} : memref<16x128xi32, #tpu.memory_space<vmem>>, vector<16xi32>,
      %max3A_668 = arith.maxsi %max3A_658, %get3A_667 : vector<16xi32>
      %get3A_669 = arith.constant 14 : i32
      %get3A_670 = arith.index_cast %get3A_669 : i32 to index
      %get3A_671 = arith.constant 48 : index
      %get3A_672 = tpu.vector_load %arg13[%get3A_670, %get3A_671] {strides = array<i32>} : memref<16x128xi32, #tpu.memory_space<vmem>>, vector<16xi32>,
      %add3A_673 = arith.addi %add3A_663, %get3A_672 : vector<16xi32>
      %get3A_674 = arith.constant 15 : i32
      %get3A_675 = arith.index_cast %get3A_674 : i32 to index
      %get3A_676 = arith.constant 48 : index
      %get3A_677 = tpu.vector_load %arg12[%get3A_675, %get3A_676] {strides = array<i32>} : memref<16x128xi32, #tpu.memory_space<vmem>>, vector<16xi32>,
      %max3A_678 = arith.maxsi %max3A_668, %get3A_677 : vector<16xi32>
      %get3A_679 = arith.constant 15 : i32
      %get3A_680 = arith.index_cast %get3A_679 : i32 to index
      %get3A_681 = arith.constant 48 : index
      %get3A_682 = tpu.vector_load %arg13[%get3A_680, %get3A_681] {strides = array<i32>} : memref<16x128xi32, #tpu.memory_space<vmem>>, vector<16xi32>,
      %add3A_683 = arith.addi %add3A_673, %get3A_682 : vector<16xi32>
      %swap3A_684 = arith.constant 48 : index
      %swap3A_685 = tpu.vector_load %arg14[%swap3A_684] {strides = array<i32>} : memref<128xi32, #tpu.memory_space<vmem>>, vector<16xi32>,
      tpu.vector_store %arg14[%swap3A_684], %max3A_678 {strides = array<i32>} : memref<128xi32, #tpu.memory_space<vmem>>, vector<16xi32>,
      %swap3A_686 = arith.constant 48 : index
      %swap3A_687 = tpu.vector_load %arg15[%swap3A_686] {strides = array<i32>} : memref<128xi32, #tpu.memory_space<vmem>>, vector<16xi32>,
      tpu.vector_store %arg15[%swap3A_686], %add3A_683 {strides = array<i32>} : memref<128xi32, #tpu.memory_space<vmem>>, vector<16xi32>,
      %max3A_688 = arith.maxsi %max3A_678, %broadcast_in_dim3A_6 : vector<16xi32>
      %broadcast_in_dim3A_689 = arith.constant 1048575 : i32
      %broadcast_in_dim3A_690 = vector.broadcast %broadcast_in_dim3A_689 : i32 to vector<16xi32>
      %min3A_691 = arith.minsi %max3A_688, %broadcast_in_dim3A_690 : vector<16xi32>
      %swap3A_692 = arith.constant 48 : index
      %swap3A_693 = tpu.vector_load %arg16[%swap3A_692] {strides = array<i32>} : memref<128xi32, #tpu.memory_space<vmem>>, vector<16xi32>,
      tpu.vector_store %arg16[%swap3A_692], %min3A_691 {strides = array<i32>} : memref<128xi32, #tpu.memory_space<vmem>>, vector<16xi32>,
      %get3A_694 = arith.constant 0 : i32
      %get3A_695 = arith.index_cast %get3A_694 : i32 to index
      %get3A_696 = arith.constant 64 : index
      %get3A_697 = tpu.vector_load %arg12[%get3A_695, %get3A_696] {strides = array<i32>} : memref<16x128xi32, #tpu.memory_space<vmem>>, vector<16xi32>,
      %get3A_698 = arith.constant 0 : i32
      %get3A_699 = arith.index_cast %get3A_698 : i32 to index
      %get3A_700 = arith.constant 64 : index
      %get3A_701 = tpu.vector_load %arg13[%get3A_699, %get3A_700] {strides = array<i32>} : memref<16x128xi32, #tpu.memory_space<vmem>>, vector<16xi32>,
      %get3A_702 = arith.constant 1 : i32
      %get3A_703 = arith.index_cast %get3A_702 : i32 to index
      %get3A_704 = arith.constant 64 : index
      %get3A_705 = tpu.vector_load %arg12[%get3A_703, %get3A_704] {strides = array<i32>} : memref<16x128xi32, #tpu.memory_space<vmem>>, vector<16xi32>,
      %max3A_706 = arith.maxsi %get3A_697, %get3A_705 : vector<16xi32>
      %get3A_707 = arith.constant 1 : i32
      %get3A_708 = arith.index_cast %get3A_707 : i32 to index
      %get3A_709 = arith.constant 64 : index
      %get3A_710 = tpu.vector_load %arg13[%get3A_708, %get3A_709] {strides = array<i32>} : memref<16x128xi32, #tpu.memory_space<vmem>>, vector<16xi32>,
      %add3A_711 = arith.addi %get3A_701, %get3A_710 : vector<16xi32>
      %get3A_712 = arith.constant 2 : i32
      %get3A_713 = arith.index_cast %get3A_712 : i32 to index
      %get3A_714 = arith.constant 64 : index
      %get3A_715 = tpu.vector_load %arg12[%get3A_713, %get3A_714] {strides = array<i32>} : memref<16x128xi32, #tpu.memory_space<vmem>>, vector<16xi32>,
      %max3A_716 = arith.maxsi %max3A_706, %get3A_715 : vector<16xi32>
      %get3A_717 = arith.constant 2 : i32
      %get3A_718 = arith.index_cast %get3A_717 : i32 to index
      %get3A_719 = arith.constant 64 : index
      %get3A_720 = tpu.vector_load %arg13[%get3A_718, %get3A_719] {strides = array<i32>} : memref<16x128xi32, #tpu.memory_space<vmem>>, vector<16xi32>,
      %add3A_721 = arith.addi %add3A_711, %get3A_720 : vector<16xi32>
      %get3A_722 = arith.constant 3 : i32
      %get3A_723 = arith.index_cast %get3A_722 : i32 to index
      %get3A_724 = arith.constant 64 : index
      %get3A_725 = tpu.vector_load %arg12[%get3A_723, %get3A_724] {strides = array<i32>} : memref<16x128xi32, #tpu.memory_space<vmem>>, vector<16xi32>,
      %max3A_726 = arith.maxsi %max3A_716, %get3A_725 : vector<16xi32>
      %get3A_727 = arith.constant 3 : i32
      %get3A_728 = arith.index_cast %get3A_727 : i32 to index
      %get3A_729 = arith.constant 64 : index
      %get3A_730 = tpu.vector_load %arg13[%get3A_728, %get3A_729] {strides = array<i32>} : memref<16x128xi32, #tpu.memory_space<vmem>>, vector<16xi32>,
      %add3A_731 = arith.addi %add3A_721, %get3A_730 : vector<16xi32>
      %get3A_732 = arith.constant 4 : i32
      %get3A_733 = arith.index_cast %get3A_732 : i32 to index
      %get3A_734 = arith.constant 64 : index
      %get3A_735 = tpu.vector_load %arg12[%get3A_733, %get3A_734] {strides = array<i32>} : memref<16x128xi32, #tpu.memory_space<vmem>>, vector<16xi32>,
      %max3A_736 = arith.maxsi %max3A_726, %get3A_735 : vector<16xi32>
      %get3A_737 = arith.constant 4 : i32
      %get3A_738 = arith.index_cast %get3A_737 : i32 to index
      %get3A_739 = arith.constant 64 : index
      %get3A_740 = tpu.vector_load %arg13[%get3A_738, %get3A_739] {strides = array<i32>} : memref<16x128xi32, #tpu.memory_space<vmem>>, vector<16xi32>,
      %add3A_741 = arith.addi %add3A_731, %get3A_740 : vector<16xi32>
      %get3A_742 = arith.constant 5 : i32
      %get3A_743 = arith.index_cast %get3A_742 : i32 to index
      %get3A_744 = arith.constant 64 : index
      %get3A_745 = tpu.vector_load %arg12[%get3A_743, %get3A_744] {strides = array<i32>} : memref<16x128xi32, #tpu.memory_space<vmem>>, vector<16xi32>,
      %max3A_746 = arith.maxsi %max3A_736, %get3A_745 : vector<16xi32>
      %get3A_747 = arith.constant 5 : i32
      %get3A_748 = arith.index_cast %get3A_747 : i32 to index
      %get3A_749 = arith.constant 64 : index
      %get3A_750 = tpu.vector_load %arg13[%get3A_748, %get3A_749] {strides = array<i32>} : memref<16x128xi32, #tpu.memory_space<vmem>>, vector<16xi32>,
      %add3A_751 = arith.addi %add3A_741, %get3A_750 : vector<16xi32>
      %get3A_752 = arith.constant 6 : i32
      %get3A_753 = arith.index_cast %get3A_752 : i32 to index
      %get3A_754 = arith.constant 64 : index
      %get3A_755 = tpu.vector_load %arg12[%get3A_753, %get3A_754] {strides = array<i32>} : memref<16x128xi32, #tpu.memory_space<vmem>>, vector<16xi32>,
      %max3A_756 = arith.maxsi %max3A_746, %get3A_755 : vector<16xi32>
      %get3A_757 = arith.constant 6 : i32
      %get3A_758 = arith.index_cast %get3A_757 : i32 to index
      %get3A_759 = arith.constant 64 : index
      %get3A_760 = tpu.vector_load %arg13[%get3A_758, %get3A_759] {strides = array<i32>} : memref<16x128xi32, #tpu.memory_space<vmem>>, vector<16xi32>,
      %add3A_761 = arith.addi %add3A_751, %get3A_760 : vector<16xi32>
      %get3A_762 = arith.constant 7 : i32
      %get3A_763 = arith.index_cast %get3A_762 : i32 to index
      %get3A_764 = arith.constant 64 : index
      %get3A_765 = tpu.vector_load %arg12[%get3A_763, %get3A_764] {strides = array<i32>} : memref<16x128xi32, #tpu.memory_space<vmem>>, vector<16xi32>,
      %max3A_766 = arith.maxsi %max3A_756, %get3A_765 : vector<16xi32>
      %get3A_767 = arith.constant 7 : i32
      %get3A_768 = arith.index_cast %get3A_767 : i32 to index
      %get3A_769 = arith.constant 64 : index
      %get3A_770 = tpu.vector_load %arg13[%get3A_768, %get3A_769] {strides = array<i32>} : memref<16x128xi32, #tpu.memory_space<vmem>>, vector<16xi32>,
      %add3A_771 = arith.addi %add3A_761, %get3A_770 : vector<16xi32>
      %get3A_772 = arith.constant 8 : i32
      %get3A_773 = arith.index_cast %get3A_772 : i32 to index
      %get3A_774 = arith.constant 64 : index
      %get3A_775 = tpu.vector_load %arg12[%get3A_773, %get3A_774] {strides = array<i32>} : memref<16x128xi32, #tpu.memory_space<vmem>>, vector<16xi32>,
      %max3A_776 = arith.maxsi %max3A_766, %get3A_775 : vector<16xi32>
      %get3A_777 = arith.constant 8 : i32
      %get3A_778 = arith.index_cast %get3A_777 : i32 to index
      %get3A_779 = arith.constant 64 : index
      %get3A_780 = tpu.vector_load %arg13[%get3A_778, %get3A_779] {strides = array<i32>} : memref<16x128xi32, #tpu.memory_space<vmem>>, vector<16xi32>,
      %add3A_781 = arith.addi %add3A_771, %get3A_780 : vector<16xi32>
      %get3A_782 = arith.constant 9 : i32
      %get3A_783 = arith.index_cast %get3A_782 : i32 to index
      %get3A_784 = arith.constant 64 : index
      %get3A_785 = tpu.vector_load %arg12[%get3A_783, %get3A_784] {strides = array<i32>} : memref<16x128xi32, #tpu.memory_space<vmem>>, vector<16xi32>,
      %max3A_786 = arith.maxsi %max3A_776, %get3A_785 : vector<16xi32>
      %get3A_787 = arith.constant 9 : i32
      %get3A_788 = arith.index_cast %get3A_787 : i32 to index
      %get3A_789 = arith.constant 64 : index
      %get3A_790 = tpu.vector_load %arg13[%get3A_788, %get3A_789] {strides = array<i32>} : memref<16x128xi32, #tpu.memory_space<vmem>>, vector<16xi32>,
      %add3A_791 = arith.addi %add3A_781, %get3A_790 : vector<16xi32>
      %get3A_792 = arith.constant 10 : i32
      %get3A_793 = arith.index_cast %get3A_792 : i32 to index
      %get3A_794 = arith.constant 64 : index
      %get3A_795 = tpu.vector_load %arg12[%get3A_793, %get3A_794] {strides = array<i32>} : memref<16x128xi32, #tpu.memory_space<vmem>>, vector<16xi32>,
      %max3A_796 = arith.maxsi %max3A_786, %get3A_795 : vector<16xi32>
      %get3A_797 = arith.constant 10 : i32
      %get3A_798 = arith.index_cast %get3A_797 : i32 to index
      %get3A_799 = arith.constant 64 : index
      %get3A_800 = tpu.vector_load %arg13[%get3A_798, %get3A_799] {strides = array<i32>} : memref<16x128xi32, #tpu.memory_space<vmem>>, vector<16xi32>,
      %add3A_801 = arith.addi %add3A_791, %get3A_800 : vector<16xi32>
      %get3A_802 = arith.constant 11 : i32
      %get3A_803 = arith.index_cast %get3A_802 : i32 to index
      %get3A_804 = arith.constant 64 : index
      %get3A_805 = tpu.vector_load %arg12[%get3A_803, %get3A_804] {strides = array<i32>} : memref<16x128xi32, #tpu.memory_space<vmem>>, vector<16xi32>,
      %max3A_806 = arith.maxsi %max3A_796, %get3A_805 : vector<16xi32>
      %get3A_807 = arith.constant 11 : i32
      %get3A_808 = arith.index_cast %get3A_807 : i32 to index
      %get3A_809 = arith.constant 64 : index
      %get3A_810 = tpu.vector_load %arg13[%get3A_808, %get3A_809] {strides = array<i32>} : memref<16x128xi32, #tpu.memory_space<vmem>>, vector<16xi32>,
      %add3A_811 = arith.addi %add3A_801, %get3A_810 : vector<16xi32>
      %get3A_812 = arith.constant 12 : i32
      %get3A_813 = arith.index_cast %get3A_812 : i32 to index
      %get3A_814 = arith.constant 64 : index
      %get3A_815 = tpu.vector_load %arg12[%get3A_813, %get3A_814] {strides = array<i32>} : memref<16x128xi32, #tpu.memory_space<vmem>>, vector<16xi32>,
      %max3A_816 = arith.maxsi %max3A_806, %get3A_815 : vector<16xi32>
      %get3A_817 = arith.constant 12 : i32
      %get3A_818 = arith.index_cast %get3A_817 : i32 to index
      %get3A_819 = arith.constant 64 : index
      %get3A_820 = tpu.vector_load %arg13[%get3A_818, %get3A_819] {strides = array<i32>} : memref<16x128xi32, #tpu.memory_space<vmem>>, vector<16xi32>,
      %add3A_821 = arith.addi %add3A_811, %get3A_820 : vector<16xi32>
      %get3A_822 = arith.constant 13 : i32
      %get3A_823 = arith.index_cast %get3A_822 : i32 to index
      %get3A_824 = arith.constant 64 : index
      %get3A_825 = tpu.vector_load %arg12[%get3A_823, %get3A_824] {strides = array<i32>} : memref<16x128xi32, #tpu.memory_space<vmem>>, vector<16xi32>,
      %max3A_826 = arith.maxsi %max3A_816, %get3A_825 : vector<16xi32>
      %get3A_827 = arith.constant 13 : i32
      %get3A_828 = arith.index_cast %get3A_827 : i32 to index
      %get3A_829 = arith.constant 64 : index
      %get3A_830 = tpu.vector_load %arg13[%get3A_828, %get3A_829] {strides = array<i32>} : memref<16x128xi32, #tpu.memory_space<vmem>>, vector<16xi32>,
      %add3A_831 = arith.addi %add3A_821, %get3A_830 : vector<16xi32>
      %get3A_832 = arith.constant 14 : i32
      %get3A_833 = arith.index_cast %get3A_832 : i32 to index
      %get3A_834 = arith.constant 64 : index
      %get3A_835 = tpu.vector_load %arg12[%get3A_833, %get3A_834] {strides = array<i32>} : memref<16x128xi32, #tpu.memory_space<vmem>>, vector<16xi32>,
      %max3A_836 = arith.maxsi %max3A_826, %get3A_835 : vector<16xi32>
      %get3A_837 = arith.constant 14 : i32
      %get3A_838 = arith.index_cast %get3A_837 : i32 to index
      %get3A_839 = arith.constant 64 : index
      %get3A_840 = tpu.vector_load %arg13[%get3A_838, %get3A_839] {strides = array<i32>} : memref<16x128xi32, #tpu.memory_space<vmem>>, vector<16xi32>,
      %add3A_841 = arith.addi %add3A_831, %get3A_840 : vector<16xi32>
      %get3A_842 = arith.constant 15 : i32
      %get3A_843 = arith.index_cast %get3A_842 : i32 to index
      %get3A_844 = arith.constant 64 : index
      %get3A_845 = tpu.vector_load %arg12[%get3A_843, %get3A_844] {strides = array<i32>} : memref<16x128xi32, #tpu.memory_space<vmem>>, vector<16xi32>,
      %max3A_846 = arith.maxsi %max3A_836, %get3A_845 : vector<16xi32>
      %get3A_847 = arith.constant 15 : i32
      %get3A_848 = arith.index_cast %get3A_847 : i32 to index
      %get3A_849 = arith.constant 64 : index
      %get3A_850 = tpu.vector_load %arg13[%get3A_848, %get3A_849] {strides = array<i32>} : memref<16x128xi32, #tpu.memory_space<vmem>>, vector<16xi32>,
      %add3A_851 = arith.addi %add3A_841, %get3A_850 : vector<16xi32>
      %swap3A_852 = arith.constant 64 : index
      %swap3A_853 = tpu.vector_load %arg14[%swap3A_852] {strides = array<i32>} : memref<128xi32, #tpu.memory_space<vmem>>, vector<16xi32>,
      tpu.vector_store %arg14[%swap3A_852], %max3A_846 {strides = array<i32>} : memref<128xi32, #tpu.memory_space<vmem>>, vector<16xi32>,
      %swap3A_854 = arith.constant 64 : index
      %swap3A_855 = tpu.vector_load %arg15[%swap3A_854] {strides = array<i32>} : memref<128xi32, #tpu.memory_space<vmem>>, vector<16xi32>,
      tpu.vector_store %arg15[%swap3A_854], %add3A_851 {strides = array<i32>} : memref<128xi32, #tpu.memory_space<vmem>>, vector<16xi32>,
      %max3A_856 = arith.maxsi %max3A_846, %broadcast_in_dim3A_6 : vector<16xi32>
      %broadcast_in_dim3A_857 = arith.constant 1048575 : i32
      %broadcast_in_dim3A_858 = vector.broadcast %broadcast_in_dim3A_857 : i32 to vector<16xi32>
      %min3A_859 = arith.minsi %max3A_856, %broadcast_in_dim3A_858 : vector<16xi32>
      %swap3A_860 = arith.constant 64 : index
      %swap3A_861 = tpu.vector_load %arg16[%swap3A_860] {strides = array<i32>} : memref<128xi32, #tpu.memory_space<vmem>>, vector<16xi32>,
      tpu.vector_store %arg16[%swap3A_860], %min3A_859 {strides = array<i32>} : memref<128xi32, #tpu.memory_space<vmem>>, vector<16xi32>,
      %get3A_862 = arith.constant 0 : i32
      %get3A_863 = arith.index_cast %get3A_862 : i32 to index
      %get3A_864 = arith.constant 80 : index
      %get3A_865 = tpu.vector_load %arg12[%get3A_863, %get3A_864] {strides = array<i32>} : memref<16x128xi32, #tpu.memory_space<vmem>>, vector<16xi32>,
      %get3A_866 = arith.constant 0 : i32
      %get3A_867 = arith.index_cast %get3A_866 : i32 to index
      %get3A_868 = arith.constant 80 : index
      %get3A_869 = tpu.vector_load %arg13[%get3A_867, %get3A_868] {strides = array<i32>} : memref<16x128xi32, #tpu.memory_space<vmem>>, vector<16xi32>,
      %get3A_870 = arith.constant 1 : i32
      %get3A_871 = arith.index_cast %get3A_870 : i32 to index
      %get3A_872 = arith.constant 80 : index
      %get3A_873 = tpu.vector_load %arg12[%get3A_871, %get3A_872] {strides = array<i32>} : memref<16x128xi32, #tpu.memory_space<vmem>>, vector<16xi32>,
      %max3A_874 = arith.maxsi %get3A_865, %get3A_873 : vector<16xi32>
      %get3A_875 = arith.constant 1 : i32
      %get3A_876 = arith.index_cast %get3A_875 : i32 to index
      %get3A_877 = arith.constant 80 : index
      %get3A_878 = tpu.vector_load %arg13[%get3A_876, %get3A_877] {strides = array<i32>} : memref<16x128xi32, #tpu.memory_space<vmem>>, vector<16xi32>,
      %add3A_879 = arith.addi %get3A_869, %get3A_878 : vector<16xi32>
      %get3A_880 = arith.constant 2 : i32
      %get3A_881 = arith.index_cast %get3A_880 : i32 to index
      %get3A_882 = arith.constant 80 : index
      %get3A_883 = tpu.vector_load %arg12[%get3A_881, %get3A_882] {strides = array<i32>} : memref<16x128xi32, #tpu.memory_space<vmem>>, vector<16xi32>,
      %max3A_884 = arith.maxsi %max3A_874, %get3A_883 : vector<16xi32>
      %get3A_885 = arith.constant 2 : i32
      %get3A_886 = arith.index_cast %get3A_885 : i32 to index
      %get3A_887 = arith.constant 80 : index
      %get3A_888 = tpu.vector_load %arg13[%get3A_886, %get3A_887] {strides = array<i32>} : memref<16x128xi32, #tpu.memory_space<vmem>>, vector<16xi32>,
      %add3A_889 = arith.addi %add3A_879, %get3A_888 : vector<16xi32>
      %get3A_890 = arith.constant 3 : i32
      %get3A_891 = arith.index_cast %get3A_890 : i32 to index
      %get3A_892 = arith.constant 80 : index
      %get3A_893 = tpu.vector_load %arg12[%get3A_891, %get3A_892] {strides = array<i32>} : memref<16x128xi32, #tpu.memory_space<vmem>>, vector<16xi32>,
      %max3A_894 = arith.maxsi %max3A_884, %get3A_893 : vector<16xi32>
      %get3A_895 = arith.constant 3 : i32
      %get3A_896 = arith.index_cast %get3A_895 : i32 to index
      %get3A_897 = arith.constant 80 : index
      %get3A_898 = tpu.vector_load %arg13[%get3A_896, %get3A_897] {strides = array<i32>} : memref<16x128xi32, #tpu.memory_space<vmem>>, vector<16xi32>,
      %add3A_899 = arith.addi %add3A_889, %get3A_898 : vector<16xi32>
      %get3A_900 = arith.constant 4 : i32
      %get3A_901 = arith.index_cast %get3A_900 : i32 to index
      %get3A_902 = arith.constant 80 : index
      %get3A_903 = tpu.vector_load %arg12[%get3A_901, %get3A_902] {strides = array<i32>} : memref<16x128xi32, #tpu.memory_space<vmem>>, vector<16xi32>,
      %max3A_904 = arith.maxsi %max3A_894, %get3A_903 : vector<16xi32>
      %get3A_905 = arith.constant 4 : i32
      %get3A_906 = arith.index_cast %get3A_905 : i32 to index
      %get3A_907 = arith.constant 80 : index
      %get3A_908 = tpu.vector_load %arg13[%get3A_906, %get3A_907] {strides = array<i32>} : memref<16x128xi32, #tpu.memory_space<vmem>>, vector<16xi32>,
      %add3A_909 = arith.addi %add3A_899, %get3A_908 : vector<16xi32>
      %get3A_910 = arith.constant 5 : i32
      %get3A_911 = arith.index_cast %get3A_910 : i32 to index
      %get3A_912 = arith.constant 80 : index
      %get3A_913 = tpu.vector_load %arg12[%get3A_911, %get3A_912] {strides = array<i32>} : memref<16x128xi32, #tpu.memory_space<vmem>>, vector<16xi32>,
      %max3A_914 = arith.maxsi %max3A_904, %get3A_913 : vector<16xi32>
      %get3A_915 = arith.constant 5 : i32
      %get3A_916 = arith.index_cast %get3A_915 : i32 to index
      %get3A_917 = arith.constant 80 : index
      %get3A_918 = tpu.vector_load %arg13[%get3A_916, %get3A_917] {strides = array<i32>} : memref<16x128xi32, #tpu.memory_space<vmem>>, vector<16xi32>,
      %add3A_919 = arith.addi %add3A_909, %get3A_918 : vector<16xi32>
      %get3A_920 = arith.constant 6 : i32
      %get3A_921 = arith.index_cast %get3A_920 : i32 to index
      %get3A_922 = arith.constant 80 : index
      %get3A_923 = tpu.vector_load %arg12[%get3A_921, %get3A_922] {strides = array<i32>} : memref<16x128xi32, #tpu.memory_space<vmem>>, vector<16xi32>,
      %max3A_924 = arith.maxsi %max3A_914, %get3A_923 : vector<16xi32>
      %get3A_925 = arith.constant 6 : i32
      %get3A_926 = arith.index_cast %get3A_925 : i32 to index
      %get3A_927 = arith.constant 80 : index
      %get3A_928 = tpu.vector_load %arg13[%get3A_926, %get3A_927] {strides = array<i32>} : memref<16x128xi32, #tpu.memory_space<vmem>>, vector<16xi32>,
      %add3A_929 = arith.addi %add3A_919, %get3A_928 : vector<16xi32>
      %get3A_930 = arith.constant 7 : i32
      %get3A_931 = arith.index_cast %get3A_930 : i32 to index
      %get3A_932 = arith.constant 80 : index
      %get3A_933 = tpu.vector_load %arg12[%get3A_931, %get3A_932] {strides = array<i32>} : memref<16x128xi32, #tpu.memory_space<vmem>>, vector<16xi32>,
      %max3A_934 = arith.maxsi %max3A_924, %get3A_933 : vector<16xi32>
      %get3A_935 = arith.constant 7 : i32
      %get3A_936 = arith.index_cast %get3A_935 : i32 to index
      %get3A_937 = arith.constant 80 : index
      %get3A_938 = tpu.vector_load %arg13[%get3A_936, %get3A_937] {strides = array<i32>} : memref<16x128xi32, #tpu.memory_space<vmem>>, vector<16xi32>,
      %add3A_939 = arith.addi %add3A_929, %get3A_938 : vector<16xi32>
      %get3A_940 = arith.constant 8 : i32
      %get3A_941 = arith.index_cast %get3A_940 : i32 to index
      %get3A_942 = arith.constant 80 : index
      %get3A_943 = tpu.vector_load %arg12[%get3A_941, %get3A_942] {strides = array<i32>} : memref<16x128xi32, #tpu.memory_space<vmem>>, vector<16xi32>,
      %max3A_944 = arith.maxsi %max3A_934, %get3A_943 : vector<16xi32>
      %get3A_945 = arith.constant 8 : i32
      %get3A_946 = arith.index_cast %get3A_945 : i32 to index
      %get3A_947 = arith.constant 80 : index
      %get3A_948 = tpu.vector_load %arg13[%get3A_946, %get3A_947] {strides = array<i32>} : memref<16x128xi32, #tpu.memory_space<vmem>>, vector<16xi32>,
      %add3A_949 = arith.addi %add3A_939, %get3A_948 : vector<16xi32>
      %get3A_950 = arith.constant 9 : i32
      %get3A_951 = arith.index_cast %get3A_950 : i32 to index
      %get3A_952 = arith.constant 80 : index
      %get3A_953 = tpu.vector_load %arg12[%get3A_951, %get3A_952] {strides = array<i32>} : memref<16x128xi32, #tpu.memory_space<vmem>>, vector<16xi32>,
      %max3A_954 = arith.maxsi %max3A_944, %get3A_953 : vector<16xi32>
      %get3A_955 = arith.constant 9 : i32
      %get3A_956 = arith.index_cast %get3A_955 : i32 to index
      %get3A_957 = arith.constant 80 : index
      %get3A_958 = tpu.vector_load %arg13[%get3A_956, %get3A_957] {strides = array<i32>} : memref<16x128xi32, #tpu.memory_space<vmem>>, vector<16xi32>,
      %add3A_959 = arith.addi %add3A_949, %get3A_958 : vector<16xi32>
      %get3A_960 = arith.constant 10 : i32
      %get3A_961 = arith.index_cast %get3A_960 : i32 to index
      %get3A_962 = arith.constant 80 : index
      %get3A_963 = tpu.vector_load %arg12[%get3A_961, %get3A_962] {strides = array<i32>} : memref<16x128xi32, #tpu.memory_space<vmem>>, vector<16xi32>,
      %max3A_964 = arith.maxsi %max3A_954, %get3A_963 : vector<16xi32>
      %get3A_965 = arith.constant 10 : i32
      %get3A_966 = arith.index_cast %get3A_965 : i32 to index
      %get3A_967 = arith.constant 80 : index
      %get3A_968 = tpu.vector_load %arg13[%get3A_966, %get3A_967] {strides = array<i32>} : memref<16x128xi32, #tpu.memory_space<vmem>>, vector<16xi32>,
      %add3A_969 = arith.addi %add3A_959, %get3A_968 : vector<16xi32>
      %get3A_970 = arith.constant 11 : i32
      %get3A_971 = arith.index_cast %get3A_970 : i32 to index
      %get3A_972 = arith.constant 80 : index
      %get3A_973 = tpu.vector_load %arg12[%get3A_971, %get3A_972] {strides = array<i32>} : memref<16x128xi32, #tpu.memory_space<vmem>>, vector<16xi32>,
      %max3A_974 = arith.maxsi %max3A_964, %get3A_973 : vector<16xi32>
      %get3A_975 = arith.constant 11 : i32
      %get3A_976 = arith.index_cast %get3A_975 : i32 to index
      %get3A_977 = arith.constant 80 : index
      %get3A_978 = tpu.vector_load %arg13[%get3A_976, %get3A_977] {strides = array<i32>} : memref<16x128xi32, #tpu.memory_space<vmem>>, vector<16xi32>,
      %add3A_979 = arith.addi %add3A_969, %get3A_978 : vector<16xi32>
      %get3A_980 = arith.constant 12 : i32
      %get3A_981 = arith.index_cast %get3A_980 : i32 to index
      %get3A_982 = arith.constant 80 : index
      %get3A_983 = tpu.vector_load %arg12[%get3A_981, %get3A_982] {strides = array<i32>} : memref<16x128xi32, #tpu.memory_space<vmem>>, vector<16xi32>,
      %max3A_984 = arith.maxsi %max3A_974, %get3A_983 : vector<16xi32>
      %get3A_985 = arith.constant 12 : i32
      %get3A_986 = arith.index_cast %get3A_985 : i32 to index
      %get3A_987 = arith.constant 80 : index
      %get3A_988 = tpu.vector_load %arg13[%get3A_986, %get3A_987] {strides = array<i32>} : memref<16x128xi32, #tpu.memory_space<vmem>>, vector<16xi32>,
      %add3A_989 = arith.addi %add3A_979, %get3A_988 : vector<16xi32>
      %get3A_990 = arith.constant 13 : i32
      %get3A_991 = arith.index_cast %get3A_990 : i32 to index
      %get3A_992 = arith.constant 80 : index
      %get3A_993 = tpu.vector_load %arg12[%get3A_991, %get3A_992] {strides = array<i32>} : memref<16x128xi32, #tpu.memory_space<vmem>>, vector<16xi32>,
      %max3A_994 = arith.maxsi %max3A_984, %get3A_993 : vector<16xi32>
      %get3A_995 = arith.constant 13 : i32
      %get3A_996 = arith.index_cast %get3A_995 : i32 to index
      %get3A_997 = arith.constant 80 : index
      %get3A_998 = tpu.vector_load %arg13[%get3A_996, %get3A_997] {strides = array<i32>} : memref<16x128xi32, #tpu.memory_space<vmem>>, vector<16xi32>,
      %add3A_999 = arith.addi %add3A_989, %get3A_998 : vector<16xi32>
      %get3A_1000 = arith.constant 14 : i32
      %get3A_1001 = arith.index_cast %get3A_1000 : i32 to index
      %get3A_1002 = arith.constant 80 : index
      %get3A_1003 = tpu.vector_load %arg12[%get3A_1001, %get3A_1002] {strides = array<i32>} : memref<16x128xi32, #tpu.memory_space<vmem>>, vector<16xi32>,
      %max3A_1004 = arith.maxsi %max3A_994, %get3A_1003 : vector<16xi32>
      %get3A_1005 = arith.constant 14 : i32
      %get3A_1006 = arith.index_cast %get3A_1005 : i32 to index
      %get3A_1007 = arith.constant 80 : index
      %get3A_1008 = tpu.vector_load %arg13[%get3A_1006, %get3A_1007] {strides = array<i32>} : memref<16x128xi32, #tpu.memory_space<vmem>>, vector<16xi32>,
      %add3A_1009 = arith.addi %add3A_999, %get3A_1008 : vector<16xi32>
      %get3A_1010 = arith.constant 15 : i32
      %get3A_1011 = arith.index_cast %get3A_1010 : i32 to index
      %get3A_1012 = arith.constant 80 : index
      %get3A_1013 = tpu.vector_load %arg12[%get3A_1011, %get3A_1012] {strides = array<i32>} : memref<16x128xi32, #tpu.memory_space<vmem>>, vector<16xi32>,
      %max3A_1014 = arith.maxsi %max3A_1004, %get3A_1013 : vector<16xi32>
      %get3A_1015 = arith.constant 15 : i32
      %get3A_1016 = arith.index_cast %get3A_1015 : i32 to index
      %get3A_1017 = arith.constant 80 : index
      %get3A_1018 = tpu.vector_load %arg13[%get3A_1016, %get3A_1017] {strides = array<i32>} : memref<16x128xi32, #tpu.memory_space<vmem>>, vector<16xi32>,
      %add3A_1019 = arith.addi %add3A_1009, %get3A_1018 : vector<16xi32>
      %swap3A_1020 = arith.constant 80 : index
      %swap3A_1021 = tpu.vector_load %arg14[%swap3A_1020] {strides = array<i32>} : memref<128xi32, #tpu.memory_space<vmem>>, vector<16xi32>,
      tpu.vector_store %arg14[%swap3A_1020], %max3A_1014 {strides = array<i32>} : memref<128xi32, #tpu.memory_space<vmem>>, vector<16xi32>,
      %swap3A_1022 = arith.constant 80 : index
      %swap3A_1023 = tpu.vector_load %arg15[%swap3A_1022] {strides = array<i32>} : memref<128xi32, #tpu.memory_space<vmem>>, vector<16xi32>,
      tpu.vector_store %arg15[%swap3A_1022], %add3A_1019 {strides = array<i32>} : memref<128xi32, #tpu.memory_space<vmem>>, vector<16xi32>,
      %max3A_1024 = arith.maxsi %max3A_1014, %broadcast_in_dim3A_6 : vector<16xi32>
      %broadcast_in_dim3A_1025 = arith.constant 1048575 : i32
      %broadcast_in_dim3A_1026 = vector.broadcast %broadcast_in_dim3A_1025 : i32 to vector<16xi32>
      %min3A_1027 = arith.minsi %max3A_1024, %broadcast_in_dim3A_1026 : vector<16xi32>
      %swap3A_1028 = arith.constant 80 : index
      %swap3A_1029 = tpu.vector_load %arg16[%swap3A_1028] {strides = array<i32>} : memref<128xi32, #tpu.memory_space<vmem>>, vector<16xi32>,
      tpu.vector_store %arg16[%swap3A_1028], %min3A_1027 {strides = array<i32>} : memref<128xi32, #tpu.memory_space<vmem>>, vector<16xi32>,
      %get3A_1030 = arith.constant 0 : i32
      %get3A_1031 = arith.index_cast %get3A_1030 : i32 to index
      %get3A_1032 = arith.constant 96 : index
      %get3A_1033 = tpu.vector_load %arg12[%get3A_1031, %get3A_1032] {strides = array<i32>} : memref<16x128xi32, #tpu.memory_space<vmem>>, vector<16xi32>,
      %get3A_1034 = arith.constant 0 : i32
      %get3A_1035 = arith.index_cast %get3A_1034 : i32 to index
      %get3A_1036 = arith.constant 96 : index
      %get3A_1037 = tpu.vector_load %arg13[%get3A_1035, %get3A_1036] {strides = array<i32>} : memref<16x128xi32, #tpu.memory_space<vmem>>, vector<16xi32>,
      %get3A_1038 = arith.constant 1 : i32
      %get3A_1039 = arith.index_cast %get3A_1038 : i32 to index
      %get3A_1040 = arith.constant 96 : index
      %get3A_1041 = tpu.vector_load %arg12[%get3A_1039, %get3A_1040] {strides = array<i32>} : memref<16x128xi32, #tpu.memory_space<vmem>>, vector<16xi32>,
      %max3A_1042 = arith.maxsi %get3A_1033, %get3A_1041 : vector<16xi32>
      %get3A_1043 = arith.constant 1 : i32
      %get3A_1044 = arith.index_cast %get3A_1043 : i32 to index
      %get3A_1045 = arith.constant 96 : index
      %get3A_1046 = tpu.vector_load %arg13[%get3A_1044, %get3A_1045] {strides = array<i32>} : memref<16x128xi32, #tpu.memory_space<vmem>>, vector<16xi32>,
      %add3A_1047 = arith.addi %get3A_1037, %get3A_1046 : vector<16xi32>
      %get3A_1048 = arith.constant 2 : i32
      %get3A_1049 = arith.index_cast %get3A_1048 : i32 to index
      %get3A_1050 = arith.constant 96 : index
      %get3A_1051 = tpu.vector_load %arg12[%get3A_1049, %get3A_1050] {strides = array<i32>} : memref<16x128xi32, #tpu.memory_space<vmem>>, vector<16xi32>,
      %max3A_1052 = arith.maxsi %max3A_1042, %get3A_1051 : vector<16xi32>
      %get3A_1053 = arith.constant 2 : i32
      %get3A_1054 = arith.index_cast %get3A_1053 : i32 to index
      %get3A_1055 = arith.constant 96 : index
      %get3A_1056 = tpu.vector_load %arg13[%get3A_1054, %get3A_1055] {strides = array<i32>} : memref<16x128xi32, #tpu.memory_space<vmem>>, vector<16xi32>,
      %add3A_1057 = arith.addi %add3A_1047, %get3A_1056 : vector<16xi32>
      %get3A_1058 = arith.constant 3 : i32
      %get3A_1059 = arith.index_cast %get3A_1058 : i32 to index
      %get3A_1060 = arith.constant 96 : index
      %get3A_1061 = tpu.vector_load %arg12[%get3A_1059, %get3A_1060] {strides = array<i32>} : memref<16x128xi32, #tpu.memory_space<vmem>>, vector<16xi32>,
      %max3A_1062 = arith.maxsi %max3A_1052, %get3A_1061 : vector<16xi32>
      %get3A_1063 = arith.constant 3 : i32
      %get3A_1064 = arith.index_cast %get3A_1063 : i32 to index
      %get3A_1065 = arith.constant 96 : index
      %get3A_1066 = tpu.vector_load %arg13[%get3A_1064, %get3A_1065] {strides = array<i32>} : memref<16x128xi32, #tpu.memory_space<vmem>>, vector<16xi32>,
      %add3A_1067 = arith.addi %add3A_1057, %get3A_1066 : vector<16xi32>
      %get3A_1068 = arith.constant 4 : i32
      %get3A_1069 = arith.index_cast %get3A_1068 : i32 to index
      %get3A_1070 = arith.constant 96 : index
      %get3A_1071 = tpu.vector_load %arg12[%get3A_1069, %get3A_1070] {strides = array<i32>} : memref<16x128xi32, #tpu.memory_space<vmem>>, vector<16xi32>,
      %max3A_1072 = arith.maxsi %max3A_1062, %get3A_1071 : vector<16xi32>
      %get3A_1073 = arith.constant 4 : i32
      %get3A_1074 = arith.index_cast %get3A_1073 : i32 to index
      %get3A_1075 = arith.constant 96 : index
      %get3A_1076 = tpu.vector_load %arg13[%get3A_1074, %get3A_1075] {strides = array<i32>} : memref<16x128xi32, #tpu.memory_space<vmem>>, vector<16xi32>,
      %add3A_1077 = arith.addi %add3A_1067, %get3A_1076 : vector<16xi32>
      %get3A_1078 = arith.constant 5 : i32
      %get3A_1079 = arith.index_cast %get3A_1078 : i32 to index
      %get3A_1080 = arith.constant 96 : index
      %get3A_1081 = tpu.vector_load %arg12[%get3A_1079, %get3A_1080] {strides = array<i32>} : memref<16x128xi32, #tpu.memory_space<vmem>>, vector<16xi32>,
      %max3A_1082 = arith.maxsi %max3A_1072, %get3A_1081 : vector<16xi32>
      %get3A_1083 = arith.constant 5 : i32
      %get3A_1084 = arith.index_cast %get3A_1083 : i32 to index
      %get3A_1085 = arith.constant 96 : index
      %get3A_1086 = tpu.vector_load %arg13[%get3A_1084, %get3A_1085] {strides = array<i32>} : memref<16x128xi32, #tpu.memory_space<vmem>>, vector<16xi32>,
      %add3A_1087 = arith.addi %add3A_1077, %get3A_1086 : vector<16xi32>
      %get3A_1088 = arith.constant 6 : i32
      %get3A_1089 = arith.index_cast %get3A_1088 : i32 to index
      %get3A_1090 = arith.constant 96 : index
      %get3A_1091 = tpu.vector_load %arg12[%get3A_1089, %get3A_1090] {strides = array<i32>} : memref<16x128xi32, #tpu.memory_space<vmem>>, vector<16xi32>,
      %max3A_1092 = arith.maxsi %max3A_1082, %get3A_1091 : vector<16xi32>
      %get3A_1093 = arith.constant 6 : i32
      %get3A_1094 = arith.index_cast %get3A_1093 : i32 to index
      %get3A_1095 = arith.constant 96 : index
      %get3A_1096 = tpu.vector_load %arg13[%get3A_1094, %get3A_1095] {strides = array<i32>} : memref<16x128xi32, #tpu.memory_space<vmem>>, vector<16xi32>,
      %add3A_1097 = arith.addi %add3A_1087, %get3A_1096 : vector<16xi32>
      %get3A_1098 = arith.constant 7 : i32
      %get3A_1099 = arith.index_cast %get3A_1098 : i32 to index
      %get3A_1100 = arith.constant 96 : index
      %get3A_1101 = tpu.vector_load %arg12[%get3A_1099, %get3A_1100] {strides = array<i32>} : memref<16x128xi32, #tpu.memory_space<vmem>>, vector<16xi32>,
      %max3A_1102 = arith.maxsi %max3A_1092, %get3A_1101 : vector<16xi32>
      %get3A_1103 = arith.constant 7 : i32
      %get3A_1104 = arith.index_cast %get3A_1103 : i32 to index
      %get3A_1105 = arith.constant 96 : index
      %get3A_1106 = tpu.vector_load %arg13[%get3A_1104, %get3A_1105] {strides = array<i32>} : memref<16x128xi32, #tpu.memory_space<vmem>>, vector<16xi32>,
      %add3A_1107 = arith.addi %add3A_1097, %get3A_1106 : vector<16xi32>
      %get3A_1108 = arith.constant 8 : i32
      %get3A_1109 = arith.index_cast %get3A_1108 : i32 to index
      %get3A_1110 = arith.constant 96 : index
      %get3A_1111 = tpu.vector_load %arg12[%get3A_1109, %get3A_1110] {strides = array<i32>} : memref<16x128xi32, #tpu.memory_space<vmem>>, vector<16xi32>,
      %max3A_1112 = arith.maxsi %max3A_1102, %get3A_1111 : vector<16xi32>
      %get3A_1113 = arith.constant 8 : i32
      %get3A_1114 = arith.index_cast %get3A_1113 : i32 to index
      %get3A_1115 = arith.constant 96 : index
      %get3A_1116 = tpu.vector_load %arg13[%get3A_1114, %get3A_1115] {strides = array<i32>} : memref<16x128xi32, #tpu.memory_space<vmem>>, vector<16xi32>,
      %add3A_1117 = arith.addi %add3A_1107, %get3A_1116 : vector<16xi32>
      %get3A_1118 = arith.constant 9 : i32
      %get3A_1119 = arith.index_cast %get3A_1118 : i32 to index
      %get3A_1120 = arith.constant 96 : index
      %get3A_1121 = tpu.vector_load %arg12[%get3A_1119, %get3A_1120] {strides = array<i32>} : memref<16x128xi32, #tpu.memory_space<vmem>>, vector<16xi32>,
      %max3A_1122 = arith.maxsi %max3A_1112, %get3A_1121 : vector<16xi32>
      %get3A_1123 = arith.constant 9 : i32
      %get3A_1124 = arith.index_cast %get3A_1123 : i32 to index
      %get3A_1125 = arith.constant 96 : index
      %get3A_1126 = tpu.vector_load %arg13[%get3A_1124, %get3A_1125] {strides = array<i32>} : memref<16x128xi32, #tpu.memory_space<vmem>>, vector<16xi32>,
      %add3A_1127 = arith.addi %add3A_1117, %get3A_1126 : vector<16xi32>
      %get3A_1128 = arith.constant 10 : i32
      %get3A_1129 = arith.index_cast %get3A_1128 : i32 to index
      %get3A_1130 = arith.constant 96 : index
      %get3A_1131 = tpu.vector_load %arg12[%get3A_1129, %get3A_1130] {strides = array<i32>} : memref<16x128xi32, #tpu.memory_space<vmem>>, vector<16xi32>,
      %max3A_1132 = arith.maxsi %max3A_1122, %get3A_1131 : vector<16xi32>
      %get3A_1133 = arith.constant 10 : i32
      %get3A_1134 = arith.index_cast %get3A_1133 : i32 to index
      %get3A_1135 = arith.constant 96 : index
      %get3A_1136 = tpu.vector_load %arg13[%get3A_1134, %get3A_1135] {strides = array<i32>} : memref<16x128xi32, #tpu.memory_space<vmem>>, vector<16xi32>,
      %add3A_1137 = arith.addi %add3A_1127, %get3A_1136 : vector<16xi32>
      %get3A_1138 = arith.constant 11 : i32
      %get3A_1139 = arith.index_cast %get3A_1138 : i32 to index
      %get3A_1140 = arith.constant 96 : index
      %get3A_1141 = tpu.vector_load %arg12[%get3A_1139, %get3A_1140] {strides = array<i32>} : memref<16x128xi32, #tpu.memory_space<vmem>>, vector<16xi32>,
      %max3A_1142 = arith.maxsi %max3A_1132, %get3A_1141 : vector<16xi32>
      %get3A_1143 = arith.constant 11 : i32
      %get3A_1144 = arith.index_cast %get3A_1143 : i32 to index
      %get3A_1145 = arith.constant 96 : index
      %get3A_1146 = tpu.vector_load %arg13[%get3A_1144, %get3A_1145] {strides = array<i32>} : memref<16x128xi32, #tpu.memory_space<vmem>>, vector<16xi32>,
      %add3A_1147 = arith.addi %add3A_1137, %get3A_1146 : vector<16xi32>
      %get3A_1148 = arith.constant 12 : i32
      %get3A_1149 = arith.index_cast %get3A_1148 : i32 to index
      %get3A_1150 = arith.constant 96 : index
      %get3A_1151 = tpu.vector_load %arg12[%get3A_1149, %get3A_1150] {strides = array<i32>} : memref<16x128xi32, #tpu.memory_space<vmem>>, vector<16xi32>,
      %max3A_1152 = arith.maxsi %max3A_1142, %get3A_1151 : vector<16xi32>
      %get3A_1153 = arith.constant 12 : i32
      %get3A_1154 = arith.index_cast %get3A_1153 : i32 to index
      %get3A_1155 = arith.constant 96 : index
      %get3A_1156 = tpu.vector_load %arg13[%get3A_1154, %get3A_1155] {strides = array<i32>} : memref<16x128xi32, #tpu.memory_space<vmem>>, vector<16xi32>,
      %add3A_1157 = arith.addi %add3A_1147, %get3A_1156 : vector<16xi32>
      %get3A_1158 = arith.constant 13 : i32
      %get3A_1159 = arith.index_cast %get3A_1158 : i32 to index
      %get3A_1160 = arith.constant 96 : index
      %get3A_1161 = tpu.vector_load %arg12[%get3A_1159, %get3A_1160] {strides = array<i32>} : memref<16x128xi32, #tpu.memory_space<vmem>>, vector<16xi32>,
      %max3A_1162 = arith.maxsi %max3A_1152, %get3A_1161 : vector<16xi32>
      %get3A_1163 = arith.constant 13 : i32
      %get3A_1164 = arith.index_cast %get3A_1163 : i32 to index
      %get3A_1165 = arith.constant 96 : index
      %get3A_1166 = tpu.vector_load %arg13[%get3A_1164, %get3A_1165] {strides = array<i32>} : memref<16x128xi32, #tpu.memory_space<vmem>>, vector<16xi32>,
      %add3A_1167 = arith.addi %add3A_1157, %get3A_1166 : vector<16xi32>
      %get3A_1168 = arith.constant 14 : i32
      %get3A_1169 = arith.index_cast %get3A_1168 : i32 to index
      %get3A_1170 = arith.constant 96 : index
      %get3A_1171 = tpu.vector_load %arg12[%get3A_1169, %get3A_1170] {strides = array<i32>} : memref<16x128xi32, #tpu.memory_space<vmem>>, vector<16xi32>,
      %max3A_1172 = arith.maxsi %max3A_1162, %get3A_1171 : vector<16xi32>
      %get3A_1173 = arith.constant 14 : i32
      %get3A_1174 = arith.index_cast %get3A_1173 : i32 to index
      %get3A_1175 = arith.constant 96 : index
      %get3A_1176 = tpu.vector_load %arg13[%get3A_1174, %get3A_1175] {strides = array<i32>} : memref<16x128xi32, #tpu.memory_space<vmem>>, vector<16xi32>,
      %add3A_1177 = arith.addi %add3A_1167, %get3A_1176 : vector<16xi32>
      %get3A_1178 = arith.constant 15 : i32
      %get3A_1179 = arith.index_cast %get3A_1178 : i32 to index
      %get3A_1180 = arith.constant 96 : index
      %get3A_1181 = tpu.vector_load %arg12[%get3A_1179, %get3A_1180] {strides = array<i32>} : memref<16x128xi32, #tpu.memory_space<vmem>>, vector<16xi32>,
      %max3A_1182 = arith.maxsi %max3A_1172, %get3A_1181 : vector<16xi32>
      %get3A_1183 = arith.constant 15 : i32
      %get3A_1184 = arith.index_cast %get3A_1183 : i32 to index
      %get3A_1185 = arith.constant 96 : index
      %get3A_1186 = tpu.vector_load %arg13[%get3A_1184, %get3A_1185] {strides = array<i32>} : memref<16x128xi32, #tpu.memory_space<vmem>>, vector<16xi32>,
      %add3A_1187 = arith.addi %add3A_1177, %get3A_1186 : vector<16xi32>
      %swap3A_1188 = arith.constant 96 : index
      %swap3A_1189 = tpu.vector_load %arg14[%swap3A_1188] {strides = array<i32>} : memref<128xi32, #tpu.memory_space<vmem>>, vector<16xi32>,
      tpu.vector_store %arg14[%swap3A_1188], %max3A_1182 {strides = array<i32>} : memref<128xi32, #tpu.memory_space<vmem>>, vector<16xi32>,
      %swap3A_1190 = arith.constant 96 : index
      %swap3A_1191 = tpu.vector_load %arg15[%swap3A_1190] {strides = array<i32>} : memref<128xi32, #tpu.memory_space<vmem>>, vector<16xi32>,
      tpu.vector_store %arg15[%swap3A_1190], %add3A_1187 {strides = array<i32>} : memref<128xi32, #tpu.memory_space<vmem>>, vector<16xi32>,
      %max3A_1192 = arith.maxsi %max3A_1182, %broadcast_in_dim3A_6 : vector<16xi32>
      %broadcast_in_dim3A_1193 = arith.constant 1048575 : i32
      %broadcast_in_dim3A_1194 = vector.broadcast %broadcast_in_dim3A_1193 : i32 to vector<16xi32>
      %min3A_1195 = arith.minsi %max3A_1192, %broadcast_in_dim3A_1194 : vector<16xi32>
      %swap3A_1196 = arith.constant 96 : index
      %swap3A_1197 = tpu.vector_load %arg16[%swap3A_1196] {strides = array<i32>} : memref<128xi32, #tpu.memory_space<vmem>>, vector<16xi32>,
      tpu.vector_store %arg16[%swap3A_1196], %min3A_1195 {strides = array<i32>} : memref<128xi32, #tpu.memory_space<vmem>>, vector<16xi32>,
      %get3A_1198 = arith.constant 0 : i32
      %get3A_1199 = arith.index_cast %get3A_1198 : i32 to index
      %get3A_1200 = arith.constant 112 : index
      %get3A_1201 = tpu.vector_load %arg12[%get3A_1199, %get3A_1200] {strides = array<i32>} : memref<16x128xi32, #tpu.memory_space<vmem>>, vector<16xi32>,
      %get3A_1202 = arith.constant 0 : i32
      %get3A_1203 = arith.index_cast %get3A_1202 : i32 to index
      %get3A_1204 = arith.constant 112 : index
      %get3A_1205 = tpu.vector_load %arg13[%get3A_1203, %get3A_1204] {strides = array<i32>} : memref<16x128xi32, #tpu.memory_space<vmem>>, vector<16xi32>,
      %get3A_1206 = arith.constant 1 : i32
      %get3A_1207 = arith.index_cast %get3A_1206 : i32 to index
      %get3A_1208 = arith.constant 112 : index
      %get3A_1209 = tpu.vector_load %arg12[%get3A_1207, %get3A_1208] {strides = array<i32>} : memref<16x128xi32, #tpu.memory_space<vmem>>, vector<16xi32>,
      %max3A_1210 = arith.maxsi %get3A_1201, %get3A_1209 : vector<16xi32>
      %get3A_1211 = arith.constant 1 : i32
      %get3A_1212 = arith.index_cast %get3A_1211 : i32 to index
      %get3A_1213 = arith.constant 112 : index
      %get3A_1214 = tpu.vector_load %arg13[%get3A_1212, %get3A_1213] {strides = array<i32>} : memref<16x128xi32, #tpu.memory_space<vmem>>, vector<16xi32>,
      %add3A_1215 = arith.addi %get3A_1205, %get3A_1214 : vector<16xi32>
      %get3A_1216 = arith.constant 2 : i32
      %get3A_1217 = arith.index_cast %get3A_1216 : i32 to index
      %get3A_1218 = arith.constant 112 : index
      %get3A_1219 = tpu.vector_load %arg12[%get3A_1217, %get3A_1218] {strides = array<i32>} : memref<16x128xi32, #tpu.memory_space<vmem>>, vector<16xi32>,
      %max3A_1220 = arith.maxsi %max3A_1210, %get3A_1219 : vector<16xi32>
      %get3A_1221 = arith.constant 2 : i32
      %get3A_1222 = arith.index_cast %get3A_1221 : i32 to index
      %get3A_1223 = arith.constant 112 : index
      %get3A_1224 = tpu.vector_load %arg13[%get3A_1222, %get3A_1223] {strides = array<i32>} : memref<16x128xi32, #tpu.memory_space<vmem>>, vector<16xi32>,
      %add3A_1225 = arith.addi %add3A_1215, %get3A_1224 : vector<16xi32>
      %get3A_1226 = arith.constant 3 : i32
      %get3A_1227 = arith.index_cast %get3A_1226 : i32 to index
      %get3A_1228 = arith.constant 112 : index
      %get3A_1229 = tpu.vector_load %arg12[%get3A_1227, %get3A_1228] {strides = array<i32>} : memref<16x128xi32, #tpu.memory_space<vmem>>, vector<16xi32>,
      %max3A_1230 = arith.maxsi %max3A_1220, %get3A_1229 : vector<16xi32>
      %get3A_1231 = arith.constant 3 : i32
      %get3A_1232 = arith.index_cast %get3A_1231 : i32 to index
      %get3A_1233 = arith.constant 112 : index
      %get3A_1234 = tpu.vector_load %arg13[%get3A_1232, %get3A_1233] {strides = array<i32>} : memref<16x128xi32, #tpu.memory_space<vmem>>, vector<16xi32>,
      %add3A_1235 = arith.addi %add3A_1225, %get3A_1234 : vector<16xi32>
      %get3A_1236 = arith.constant 4 : i32
      %get3A_1237 = arith.index_cast %get3A_1236 : i32 to index
      %get3A_1238 = arith.constant 112 : index
      %get3A_1239 = tpu.vector_load %arg12[%get3A_1237, %get3A_1238] {strides = array<i32>} : memref<16x128xi32, #tpu.memory_space<vmem>>, vector<16xi32>,
      %max3A_1240 = arith.maxsi %max3A_1230, %get3A_1239 : vector<16xi32>
      %get3A_1241 = arith.constant 4 : i32
      %get3A_1242 = arith.index_cast %get3A_1241 : i32 to index
      %get3A_1243 = arith.constant 112 : index
      %get3A_1244 = tpu.vector_load %arg13[%get3A_1242, %get3A_1243] {strides = array<i32>} : memref<16x128xi32, #tpu.memory_space<vmem>>, vector<16xi32>,
      %add3A_1245 = arith.addi %add3A_1235, %get3A_1244 : vector<16xi32>
      %get3A_1246 = arith.constant 5 : i32
      %get3A_1247 = arith.index_cast %get3A_1246 : i32 to index
      %get3A_1248 = arith.constant 112 : index
      %get3A_1249 = tpu.vector_load %arg12[%get3A_1247, %get3A_1248] {strides = array<i32>} : memref<16x128xi32, #tpu.memory_space<vmem>>, vector<16xi32>,
      %max3A_1250 = arith.maxsi %max3A_1240, %get3A_1249 : vector<16xi32>
      %get3A_1251 = arith.constant 5 : i32
      %get3A_1252 = arith.index_cast %get3A_1251 : i32 to index
      %get3A_1253 = arith.constant 112 : index
      %get3A_1254 = tpu.vector_load %arg13[%get3A_1252, %get3A_1253] {strides = array<i32>} : memref<16x128xi32, #tpu.memory_space<vmem>>, vector<16xi32>,
      %add3A_1255 = arith.addi %add3A_1245, %get3A_1254 : vector<16xi32>
      %get3A_1256 = arith.constant 6 : i32
      %get3A_1257 = arith.index_cast %get3A_1256 : i32 to index
      %get3A_1258 = arith.constant 112 : index
      %get3A_1259 = tpu.vector_load %arg12[%get3A_1257, %get3A_1258] {strides = array<i32>} : memref<16x128xi32, #tpu.memory_space<vmem>>, vector<16xi32>,
      %max3A_1260 = arith.maxsi %max3A_1250, %get3A_1259 : vector<16xi32>
      %get3A_1261 = arith.constant 6 : i32
      %get3A_1262 = arith.index_cast %get3A_1261 : i32 to index
      %get3A_1263 = arith.constant 112 : index
      %get3A_1264 = tpu.vector_load %arg13[%get3A_1262, %get3A_1263] {strides = array<i32>} : memref<16x128xi32, #tpu.memory_space<vmem>>, vector<16xi32>,
      %add3A_1265 = arith.addi %add3A_1255, %get3A_1264 : vector<16xi32>
      %get3A_1266 = arith.constant 7 : i32
      %get3A_1267 = arith.index_cast %get3A_1266 : i32 to index
      %get3A_1268 = arith.constant 112 : index
      %get3A_1269 = tpu.vector_load %arg12[%get3A_1267, %get3A_1268] {strides = array<i32>} : memref<16x128xi32, #tpu.memory_space<vmem>>, vector<16xi32>,
      %max3A_1270 = arith.maxsi %max3A_1260, %get3A_1269 : vector<16xi32>
      %get3A_1271 = arith.constant 7 : i32
      %get3A_1272 = arith.index_cast %get3A_1271 : i32 to index
      %get3A_1273 = arith.constant 112 : index
      %get3A_1274 = tpu.vector_load %arg13[%get3A_1272, %get3A_1273] {strides = array<i32>} : memref<16x128xi32, #tpu.memory_space<vmem>>, vector<16xi32>,
      %add3A_1275 = arith.addi %add3A_1265, %get3A_1274 : vector<16xi32>
      %get3A_1276 = arith.constant 8 : i32
      %get3A_1277 = arith.index_cast %get3A_1276 : i32 to index
      %get3A_1278 = arith.constant 112 : index
      %get3A_1279 = tpu.vector_load %arg12[%get3A_1277, %get3A_1278] {strides = array<i32>} : memref<16x128xi32, #tpu.memory_space<vmem>>, vector<16xi32>,
      %max3A_1280 = arith.maxsi %max3A_1270, %get3A_1279 : vector<16xi32>
      %get3A_1281 = arith.constant 8 : i32
      %get3A_1282 = arith.index_cast %get3A_1281 : i32 to index
      %get3A_1283 = arith.constant 112 : index
      %get3A_1284 = tpu.vector_load %arg13[%get3A_1282, %get3A_1283] {strides = array<i32>} : memref<16x128xi32, #tpu.memory_space<vmem>>, vector<16xi32>,
      %add3A_1285 = arith.addi %add3A_1275, %get3A_1284 : vector<16xi32>
      %get3A_1286 = arith.constant 9 : i32
      %get3A_1287 = arith.index_cast %get3A_1286 : i32 to index
      %get3A_1288 = arith.constant 112 : index
      %get3A_1289 = tpu.vector_load %arg12[%get3A_1287, %get3A_1288] {strides = array<i32>} : memref<16x128xi32, #tpu.memory_space<vmem>>, vector<16xi32>,
      %max3A_1290 = arith.maxsi %max3A_1280, %get3A_1289 : vector<16xi32>
      %get3A_1291 = arith.constant 9 : i32
      %get3A_1292 = arith.index_cast %get3A_1291 : i32 to index
      %get3A_1293 = arith.constant 112 : index
      %get3A_1294 = tpu.vector_load %arg13[%get3A_1292, %get3A_1293] {strides = array<i32>} : memref<16x128xi32, #tpu.memory_space<vmem>>, vector<16xi32>,
      %add3A_1295 = arith.addi %add3A_1285, %get3A_1294 : vector<16xi32>
      %get3A_1296 = arith.constant 10 : i32
      %get3A_1297 = arith.index_cast %get3A_1296 : i32 to index
      %get3A_1298 = arith.constant 112 : index
      %get3A_1299 = tpu.vector_load %arg12[%get3A_1297, %get3A_1298] {strides = array<i32>} : memref<16x128xi32, #tpu.memory_space<vmem>>, vector<16xi32>,
      %max3A_1300 = arith.maxsi %max3A_1290, %get3A_1299 : vector<16xi32>
      %get3A_1301 = arith.constant 10 : i32
      %get3A_1302 = arith.index_cast %get3A_1301 : i32 to index
      %get3A_1303 = arith.constant 112 : index
      %get3A_1304 = tpu.vector_load %arg13[%get3A_1302, %get3A_1303] {strides = array<i32>} : memref<16x128xi32, #tpu.memory_space<vmem>>, vector<16xi32>,
      %add3A_1305 = arith.addi %add3A_1295, %get3A_1304 : vector<16xi32>
      %get3A_1306 = arith.constant 11 : i32
      %get3A_1307 = arith.index_cast %get3A_1306 : i32 to index
      %get3A_1308 = arith.constant 112 : index
      %get3A_1309 = tpu.vector_load %arg12[%get3A_1307, %get3A_1308] {strides = array<i32>} : memref<16x128xi32, #tpu.memory_space<vmem>>, vector<16xi32>,
      %max3A_1310 = arith.maxsi %max3A_1300, %get3A_1309 : vector<16xi32>
      %get3A_1311 = arith.constant 11 : i32
      %get3A_1312 = arith.index_cast %get3A_1311 : i32 to index
      %get3A_1313 = arith.constant 112 : index
      %get3A_1314 = tpu.vector_load %arg13[%get3A_1312, %get3A_1313] {strides = array<i32>} : memref<16x128xi32, #tpu.memory_space<vmem>>, vector<16xi32>,
      %add3A_1315 = arith.addi %add3A_1305, %get3A_1314 : vector<16xi32>
      %get3A_1316 = arith.constant 12 : i32
      %get3A_1317 = arith.index_cast %get3A_1316 : i32 to index
      %get3A_1318 = arith.constant 112 : index
      %get3A_1319 = tpu.vector_load %arg12[%get3A_1317, %get3A_1318] {strides = array<i32>} : memref<16x128xi32, #tpu.memory_space<vmem>>, vector<16xi32>,
      %max3A_1320 = arith.maxsi %max3A_1310, %get3A_1319 : vector<16xi32>
      %get3A_1321 = arith.constant 12 : i32
      %get3A_1322 = arith.index_cast %get3A_1321 : i32 to index
      %get3A_1323 = arith.constant 112 : index
      %get3A_1324 = tpu.vector_load %arg13[%get3A_1322, %get3A_1323] {strides = array<i32>} : memref<16x128xi32, #tpu.memory_space<vmem>>, vector<16xi32>,
      %add3A_1325 = arith.addi %add3A_1315, %get3A_1324 : vector<16xi32>
      %get3A_1326 = arith.constant 13 : i32
      %get3A_1327 = arith.index_cast %get3A_1326 : i32 to index
      %get3A_1328 = arith.constant 112 : index
      %get3A_1329 = tpu.vector_load %arg12[%get3A_1327, %get3A_1328] {strides = array<i32>} : memref<16x128xi32, #tpu.memory_space<vmem>>, vector<16xi32>,
      %max3A_1330 = arith.maxsi %max3A_1320, %get3A_1329 : vector<16xi32>
      %get3A_1331 = arith.constant 13 : i32
      %get3A_1332 = arith.index_cast %get3A_1331 : i32 to index
      %get3A_1333 = arith.constant 112 : index
      %get3A_1334 = tpu.vector_load %arg13[%get3A_1332, %get3A_1333] {strides = array<i32>} : memref<16x128xi32, #tpu.memory_space<vmem>>, vector<16xi32>,
      %add3A_1335 = arith.addi %add3A_1325, %get3A_1334 : vector<16xi32>
      %get3A_1336 = arith.constant 14 : i32
      %get3A_1337 = arith.index_cast %get3A_1336 : i32 to index
      %get3A_1338 = arith.constant 112 : index
      %get3A_1339 = tpu.vector_load %arg12[%get3A_1337, %get3A_1338] {strides = array<i32>} : memref<16x128xi32, #tpu.memory_space<vmem>>, vector<16xi32>,
      %max3A_1340 = arith.maxsi %max3A_1330, %get3A_1339 : vector<16xi32>
      %get3A_1341 = arith.constant 14 : i32
      %get3A_1342 = arith.index_cast %get3A_1341 : i32 to index
      %get3A_1343 = arith.constant 112 : index
      %get3A_1344 = tpu.vector_load %arg13[%get3A_1342, %get3A_1343] {strides = array<i32>} : memref<16x128xi32, #tpu.memory_space<vmem>>, vector<16xi32>,
      %add3A_1345 = arith.addi %add3A_1335, %get3A_1344 : vector<16xi32>
      %get3A_1346 = arith.constant 15 : i32
      %get3A_1347 = arith.index_cast %get3A_1346 : i32 to index
      %get3A_1348 = arith.constant 112 : index
      %get3A_1349 = tpu.vector_load %arg12[%get3A_1347, %get3A_1348] {strides = array<i32>} : memref<16x128xi32, #tpu.memory_space<vmem>>, vector<16xi32>,
      %max3A_1350 = arith.maxsi %max3A_1340, %get3A_1349 : vector<16xi32>
      %get3A_1351 = arith.constant 15 : i32
      %get3A_1352 = arith.index_cast %get3A_1351 : i32 to index
      %get3A_1353 = arith.constant 112 : index
      %get3A_1354 = tpu.vector_load %arg13[%get3A_1352, %get3A_1353] {strides = array<i32>} : memref<16x128xi32, #tpu.memory_space<vmem>>, vector<16xi32>,
      %add3A_1355 = arith.addi %add3A_1345, %get3A_1354 : vector<16xi32>
      %swap3A_1356 = arith.constant 112 : index
      %swap3A_1357 = tpu.vector_load %arg14[%swap3A_1356] {strides = array<i32>} : memref<128xi32, #tpu.memory_space<vmem>>, vector<16xi32>,
      tpu.vector_store %arg14[%swap3A_1356], %max3A_1350 {strides = array<i32>} : memref<128xi32, #tpu.memory_space<vmem>>, vector<16xi32>,
      %swap3A_1358 = arith.constant 112 : index
      %swap3A_1359 = tpu.vector_load %arg15[%swap3A_1358] {strides = array<i32>} : memref<128xi32, #tpu.memory_space<vmem>>, vector<16xi32>,
      tpu.vector_store %arg15[%swap3A_1358], %add3A_1355 {strides = array<i32>} : memref<128xi32, #tpu.memory_space<vmem>>, vector<16xi32>,
      %max3A_1360 = arith.maxsi %max3A_1350, %broadcast_in_dim3A_6 : vector<16xi32>
      %broadcast_in_dim3A_1361 = arith.constant 1048575 : i32
      %broadcast_in_dim3A_1362 = vector.broadcast %broadcast_in_dim3A_1361 : i32 to vector<16xi32>
      %min3A_1363 = arith.minsi %max3A_1360, %broadcast_in_dim3A_1362 : vector<16xi32>
      %swap3A_1364 = arith.constant 112 : index
      %swap3A_1365 = tpu.vector_load %arg16[%swap3A_1364] {strides = array<i32>} : memref<128xi32, #tpu.memory_space<vmem>>, vector<16xi32>,
      tpu.vector_store %arg16[%swap3A_1364], %min3A_1363 {strides = array<i32>} : memref<128xi32, #tpu.memory_space<vmem>>, vector<16xi32>,
      %dma_start3A_1366 = arith.constant 0 : i32
      %dma_start3A_1367 = tpu.memref_slice %arg3[%dma_start3A_1366] : memref<1048576xf32, #tpu.memory_space<hbm>> -> memref<1048576xf32, #tpu.memory_space<hbm>>
      tpu.enqueue_indirect_dma source(%dma_start3A_1367 : memref<1048576xf32, #tpu.memory_space<hbm>>) target(%arg17 : memref<128xf32, #tpu.memory_space<vmem>>) offsets(%arg16 : memref<128xi32, #tpu.memory_space<vmem>>) semaphore(%arg18 : memref<!tpu.dma_semaphore, #tpu.memory_space<semaphore_mem>>)
      %dma_wait3A_1368 = arith.constant 0 : i32
      %dma_wait3A_1369 = tpu.memref_slice %arg3[%dma_wait3A_1368] : memref<1048576xf32, #tpu.memory_space<hbm>> -> memref<1048576xf32, #tpu.memory_space<hbm>>
      tpu.wait_indirect_dma semaphore(%arg18 : memref<!tpu.dma_semaphore, #tpu.memory_space<semaphore_mem>>) src(%dma_wait3A_1369 : memref<1048576xf32, #tpu.memory_space<hbm>>) dst(%arg17 : memref<128xf32, #tpu.memory_space<vmem>>)
      "tpu.region"() ({
        %run_scoped3A = tpu.sem_alloc : memref<!tpu.dma_semaphore, #tpu.memory_space<semaphore_mem>>
        %dma_start3A_1370 = tpu.memref_slice %arg4[%arg0, %multiple_of3A_25] : memref<2x1024xi32, #tpu.memory_space<hbm>> -> memref<1x128xi32, #tpu.memory_space<hbm>>
        %dma_start3A_1371 = tpu.memref_squeeze %dma_start3A_1370 : memref<1x128xi32, #tpu.memory_space<hbm>> -> memref<128xi32, #tpu.memory_space<hbm>>
        %dma_start3A_1372 = tpu.memref_slice %arg4[%arg0, %multiple_of3A_25] : memref<2x1024xi32, #tpu.memory_space<hbm>> -> memref<1x128xi32, #tpu.memory_space<hbm>>
        %dma_start3A_1373 = tpu.memref_squeeze %dma_start3A_1372 : memref<1x128xi32, #tpu.memory_space<hbm>> -> memref<128xi32, #tpu.memory_space<hbm>>
        tpu.enqueue_dma source(%arg14 : memref<128xi32, #tpu.memory_space<vmem>>) target(%dma_start3A_1373 : memref<128xi32, #tpu.memory_space<hbm>>) target_semaphore(%run_scoped3A : memref<!tpu.dma_semaphore, #tpu.memory_space<semaphore_mem>>)
        %dma_wait3A_1374 = tpu.memref_slice %arg4[%arg0, %multiple_of3A_25] : memref<2x1024xi32, #tpu.memory_space<hbm>> -> memref<1x128xi32, #tpu.memory_space<hbm>>
        %dma_wait3A_1375 = tpu.memref_squeeze %dma_wait3A_1374 : memref<1x128xi32, #tpu.memory_space<hbm>> -> memref<128xi32, #tpu.memory_space<hbm>>
        %dma_wait3A_1376 = tpu.memref_slice %arg4[%arg0, %multiple_of3A_25] : memref<2x1024xi32, #tpu.memory_space<hbm>> -> memref<1x128xi32, #tpu.memory_space<hbm>>
        %dma_wait3A_1377 = tpu.memref_squeeze %dma_wait3A_1376 : memref<1x128xi32, #tpu.memory_space<hbm>> -> memref<128xi32, #tpu.memory_space<hbm>>
        tpu.wait_dma2 semaphore(%run_scoped3A : memref<!tpu.dma_semaphore, #tpu.memory_space<semaphore_mem>>) src(%arg14 : memref<128xi32, #tpu.memory_space<vmem>>) dst(%dma_wait3A_1377 : memref<128xi32, #tpu.memory_space<hbm>>)
        tpu.yield
      }) : () -> ()
      "tpu.region"() ({
        %run_scoped3A = tpu.sem_alloc : memref<!tpu.dma_semaphore, #tpu.memory_space<semaphore_mem>>
        %dma_start3A_1370 = tpu.memref_slice %arg5[%arg0, %multiple_of3A_25] : memref<2x1024xi32, #tpu.memory_space<hbm>> -> memref<1x128xi32, #tpu.memory_space<hbm>>
        %dma_start3A_1371 = tpu.memref_squeeze %dma_start3A_1370 : memref<1x128xi32, #tpu.memory_space<hbm>> -> memref<128xi32, #tpu.memory_space<hbm>>
        %dma_start3A_1372 = tpu.memref_slice %arg5[%arg0, %multiple_of3A_25] : memref<2x1024xi32, #tpu.memory_space<hbm>> -> memref<1x128xi32, #tpu.memory_space<hbm>>
        %dma_start3A_1373 = tpu.memref_squeeze %dma_start3A_1372 : memref<1x128xi32, #tpu.memory_space<hbm>> -> memref<128xi32, #tpu.memory_space<hbm>>
        tpu.enqueue_dma source(%arg15 : memref<128xi32, #tpu.memory_space<vmem>>) target(%dma_start3A_1373 : memref<128xi32, #tpu.memory_space<hbm>>) target_semaphore(%run_scoped3A : memref<!tpu.dma_semaphore, #tpu.memory_space<semaphore_mem>>)
        %dma_wait3A_1374 = tpu.memref_slice %arg5[%arg0, %multiple_of3A_25] : memref<2x1024xi32, #tpu.memory_space<hbm>> -> memref<1x128xi32, #tpu.memory_space<hbm>>
        %dma_wait3A_1375 = tpu.memref_squeeze %dma_wait3A_1374 : memref<1x128xi32, #tpu.memory_space<hbm>> -> memref<128xi32, #tpu.memory_space<hbm>>
        %dma_wait3A_1376 = tpu.memref_slice %arg5[%arg0, %multiple_of3A_25] : memref<2x1024xi32, #tpu.memory_space<hbm>> -> memref<1x128xi32, #tpu.memory_space<hbm>>
        %dma_wait3A_1377 = tpu.memref_squeeze %dma_wait3A_1376 : memref<1x128xi32, #tpu.memory_space<hbm>> -> memref<128xi32, #tpu.memory_space<hbm>>
        tpu.wait_dma2 semaphore(%run_scoped3A : memref<!tpu.dma_semaphore, #tpu.memory_space<semaphore_mem>>) src(%arg15 : memref<128xi32, #tpu.memory_space<vmem>>) dst(%dma_wait3A_1377 : memref<128xi32, #tpu.memory_space<hbm>>)
        tpu.yield
      }) : () -> ()
      "tpu.region"() ({
        %run_scoped3A = tpu.sem_alloc : memref<!tpu.dma_semaphore, #tpu.memory_space<semaphore_mem>>
        %dma_start3A_1370 = tpu.memref_slice %arg6[%arg0, %multiple_of3A_25] : memref<2x1024xf32, #tpu.memory_space<hbm>> -> memref<1x128xf32, #tpu.memory_space<hbm>>
        %dma_start3A_1371 = tpu.memref_squeeze %dma_start3A_1370 : memref<1x128xf32, #tpu.memory_space<hbm>> -> memref<128xf32, #tpu.memory_space<hbm>>
        %dma_start3A_1372 = tpu.memref_slice %arg6[%arg0, %multiple_of3A_25] : memref<2x1024xf32, #tpu.memory_space<hbm>> -> memref<1x128xf32, #tpu.memory_space<hbm>>
        %dma_start3A_1373 = tpu.memref_squeeze %dma_start3A_1372 : memref<1x128xf32, #tpu.memory_space<hbm>> -> memref<128xf32, #tpu.memory_space<hbm>>
        tpu.enqueue_dma source(%arg17 : memref<128xf32, #tpu.memory_space<vmem>>) target(%dma_start3A_1373 : memref<128xf32, #tpu.memory_space<hbm>>) target_semaphore(%run_scoped3A : memref<!tpu.dma_semaphore, #tpu.memory_space<semaphore_mem>>)
        %dma_wait3A_1374 = tpu.memref_slice %arg6[%arg0, %multiple_of3A_25] : memref<2x1024xf32, #tpu.memory_space<hbm>> -> memref<1x128xf32, #tpu.memory_space<hbm>>
        %dma_wait3A_1375 = tpu.memref_squeeze %dma_wait3A_1374 : memref<1x128xf32, #tpu.memory_space<hbm>> -> memref<128xf32, #tpu.memory_space<hbm>>
        %dma_wait3A_1376 = tpu.memref_slice %arg6[%arg0, %multiple_of3A_25] : memref<2x1024xf32, #tpu.memory_space<hbm>> -> memref<1x128xf32, #tpu.memory_space<hbm>>
        %dma_wait3A_1377 = tpu.memref_squeeze %dma_wait3A_1376 : memref<1x128xf32, #tpu.memory_space<hbm>> -> memref<128xf32, #tpu.memory_space<hbm>>
        tpu.wait_dma2 semaphore(%run_scoped3A : memref<!tpu.dma_semaphore, #tpu.memory_space<semaphore_mem>>) src(%arg17 : memref<128xf32, #tpu.memory_space<vmem>>) dst(%dma_wait3A_1377 : memref<128xf32, #tpu.memory_space<hbm>>)
        tpu.yield
      }) : () -> ()
    } else {
    }
    return
  }
}

</mosaic_0001>

<sc_bundles>
// kernel: _sc_stats.3.cloned.1.call-start
scs
__scs_entry_jumppad:
0x0: {  	(pc) =	sbr.rel $0x88, $3  }
0x1: {  	(tag) =	ssettag $0x0;
	lr =	simm.s32 $0x1  }
0x2: {  	[smem:$0x3F9F] =	sst lr;
	_ =	strace $0xD0000000  }
0x3: {  	_ = 	snop  }
0x4: {  	_ = 	snop  }
0x5: {  	_ = 	snop  }
0x6: {  	_ = 	snop  }
0x7: {  	_ = 	snop  }
__scs_overlays_trampoline_lowered:
0x8: {  	[smem:$0x3FAE] =	sst s0  }
0x9: {  	[smem:$0x3FAF] =	sst s1  }
0xa: {  	[smem:$0x3FB0] =	sst s2  }
0xb: {  	[smem:$0x3FB1] =	sst s3  }
0xc: {  	[smem:$0x3FB2] =	sst s4  }
0xd: {  	[smem:$0x3FB3] =	sst s5  }
0xe: {  	[smem:$0x3FB4] =	sst s6  }
0xf: {  	[smem:$0x3FB5] =	sst s7  }
0x10: {  	[smem:$0x3FB6] =	sst s8  }
0x11: {  	[smem:$0x3FB7] =	sst s9;
	s0 =	simm.s32 @!p0 $0x0  }
0x12: {  	s1 =	sld [smem:$0x3F9D];
	s0 =	simm.s32 @p0 $0x1  }
0x13: {  	[smem:$0x3FB8] =	sst s0;
	s0 =	simm.s32 @!p1 $0x0  }
0x14: {  	s2 =	sld [smem:$0x3F9C];
	s0 =	simm.s32 @p1 $0x1  }
0x15: {  	[smem:$0x3FB9] =	sst s0;
	s0 =	simm.s32 @!p2 $0x0  }
0x16: {  	s3 =	sld [smem:$0x3FDB];
	s0 =	simm.s32 @p2 $0x1  }
0x17: {  	s4 =	simm.s32 $0x1BF5;
	[smem:$0x3FBB] =	sst s0  }
0x18: {  	s0 =	sld [smem:$0x3F9E];
	_ =	swait.ge [sflag:s4], $0x0  }
0x19: {  	s7 =	sld [smem:$0x3F9F]  }
0x1a: {  	s8 =	sadd.s32 $0xFFFFE003, lr  }
0x1b: {  	s9 =	sadd.s32 $0xFFFFFEF7, lr;
	s5 =	simm.s32 $0xFFFFFFFF;
	p2 =	slt.u32 s8, $0xFFFFF086  }
0x1c: {  	p1 =	slt.u32 s9, $0xF7A;
	s5 =	simm.s32 @!p2 $0x0  }
0x1d: {  	s5 =	simm.s32 @p1 $0x1;
	p0 =	seq.s32 s7, s2  }
0x1e: {  	s7 =	smul.u32 @!p0 $0xF7A, s2;
	p2 =	seq.s32 @!p0 s5, $0x0  }
0x1f: {  	s9 =	smul.u32 $0xF7A, s1;
	s8 =	simm.s32 @!p0 $0x1BF5;
	p2 =	por !p2, p0  }
0x20: {  	[sflag:s8] =	ssyncset.s32 @!p0 $0xFFFFF086;
	s6 =	sadd.s32 @!p0 s3, s7;
	s7 =	simm.s32 @!p0 $0x108  }
0x21: {  	s3 =	sadd.s32 s3, s9;
	s6 =	sadd.s32 @!p0 $0x88, s6;
	s7 =	simm.s32 @p2 $0x1082  }
0x22: {  	[simem:s7], [sflag:s8] =	dma.local @!p0 [hbm:s6], $0xF7A  }
0x23: {  	s9 =	sor.u32 $0xD0000000, s2;
	s6 =	simm.s32 $0x108;
	_ =	swait.ge @!p0 [sflag:s8], $0x0  }
0x24: {  	s3 =	sadd.s32 $0x88, s3;
	s6 =	simm.s32 @!p1 $0x1082;
	[sflag:s4] =	ssyncset.s32 $0xFFFFF086  }
0x25: {  	[simem:s6], [sflag:s4] =	dma.local [hbm:s3], $0xF7A  }
0x26: {  	[smem:$0x3F9F] =	sst s1;
	(tag) =	ssettag s2;
	_ =	strace s9  }
0x27: {  	s1 =	sld [smem:$0x3FAF]  }
0x28: {  	s2 =	sld [smem:$0x3FB0]  }
0x29: {  	s4 =	sld [smem:$0x3FB2]  }
0x2a: {  	p0 =	seq.s32 s5, $0x0;
	s5 =	sld [smem:$0x3FB3]  }
0x2b: {  	s6 =	sld [smem:$0x3FB4]  }
0x2c: {  	s7 =	sld [smem:$0x3FB5]  }
0x2d: {  	s3 =	simm.s32 $0x108;
	s8 =	sld [smem:$0x3FB6]  }
0x2e: {  	s3 =	simm.s32 @!p0 $0x1082;
	s9 =	sld [smem:$0x3FB7]  }
0x2f: {  	lr =	sadd.s32 s0, s3;
	s0 =	sld [smem:$0x3FAE]  }
0x30: {  	s3 =	sld [smem:$0x3FB1]  }
0x31: {  	[smem:$0x3FBA] =	sst s10  }
0x32: {  	s10 =	sld [smem:$0x3FB8];
	_ =	sdelay $0x3  }
0x33: {  	p0 =	seq.s32 s10, $0x1;
	s10 =	sld [smem:$0x3FBA];
	_ =	sdelay $0x3  }
0x34: {  	[smem:$0x3FBA] =	sst s10  }
0x35: {  	s10 =	sld [smem:$0x3FB9];
	_ =	sdelay $0x3  }
0x36: {  	p1 =	seq.s32 s10, $0x1;
	s10 =	sld [smem:$0x3FBA];
	_ =	sdelay $0x3  }
0x37: {  	[smem:$0x3FBA] =	sst s10  }
0x38: {  	s10 =	sld [smem:$0x3FBB]  }
0x39: {  	_ = 	snop;
	(pc) =	sbr.ind lr, $3  }
0x3a: {  	_ = 	snop  }
0x3b: {  	_ = 	snop  }
0x3c: {  	p2 =	seq.s32 s10, $0x1;
	s10 =	sld [smem:$0x3FBA]  }
0x3d: {  	_ =	shalt  }
0x3e: {  	_ =	shalt  }
0x3f: {  	_ =	shalt  }
0x40: {  	_ =	shalt  }
0x41: {  	_ =	shalt  }
0x42: {  	_ =	shalt  }
0x43: {  	_ =	shalt  }
0x44: {  	_ =	shalt  }
0x45: {  	_ =	shalt  }
0x46: {  	_ =	shalt  }
0x47: {  	_ =	shalt  }
0x48: {  	_ =	shalt  }
0x49: {  	_ =	shalt  }
0x4a: {  	_ =	shalt  }
0x4b: {  	_ =	shalt  }
0x4c: {  	_ =	shalt  }
0x4d: {  	_ =	shalt  }
0x4e: {  	_ =	shalt  }
0x4f: {  	_ =	shalt  }
0x50: {  	_ =	shalt  }
0x51: {  	_ =	shalt  }
0x52: {  	_ =	shalt  }
0x53: {  	_ =	shalt  }
0x54: {  	_ =	shalt  }
0x55: {  	_ =	shalt  }
0x56: {  	_ =	shalt  }
0x57: {  	_ =	shalt  }
0x58: {  	_ =	shalt  }
0x59: {  	_ =	shalt  }
0x5a: {  	_ =	shalt  }
0x5b: {  	_ =	shalt  }
0x5c: {  	_ =	shalt  }
0x5d: {  	_ =	shalt  }
0x5e: {  	_ =	shalt  }
0x5f: {  	_ =	shalt  }
0x60: {  	_ =	shalt  }
0x61: {  	_ =	shalt  }
0x62: {  	_ =	shalt  }
0x63: {  	_ =	shalt  }
0x64: {  	_ =	shalt  }
0x65: {  	_ =	shalt  }
0x66: {  	_ =	shalt  }
0x67: {  	_ =	shalt  }
0x68: {  	_ =	shalt  }
0x69: {  	_ =	shalt  }
0x6a: {  	_ =	shalt  }
0x6b: {  	_ =	shalt  }
0x6c: {  	_ =	shalt  }
0x6d: {  	_ =	shalt  }
0x6e: {  	_ =	shalt  }
0x6f: {  	_ =	shalt  }
0x70: {  	_ =	shalt  }
0x71: {  	_ =	shalt  }
0x72: {  	_ =	shalt  }
0x73: {  	_ =	shalt  }
0x74: {  	_ =	shalt  }
0x75: {  	_ =	shalt  }
0x76: {  	_ =	shalt  }
0x77: {  	_ =	shalt  }
0x78: {  	_ =	shalt  }
0x79: {  	_ =	shalt  }
0x7a: {  	_ =	shalt  }
0x7b: {  	_ =	shalt  }
0x7c: {  	_ =	shalt  }
0x7d: {  	_ =	shalt  }
0x7e: {  	_ =	shalt  }
0x7f: {  	_ =	shalt  }
0x80: {  	_ =	shalt  }
0x81: {  	_ =	shalt  }
0x82: {  	_ =	shalt  }
0x83: {  	_ =	shalt  }
0x84: {  	_ =	shalt  }
0x85: {  	_ =	shalt  }
0x86: {  	_ =	shalt  }
0x87: {  	_ =	shalt  }
.Lfunc_end0:
.L_simem_size_0:
called_computation_lowered:
.L_overlay_start_0:
0x88: {  	s2 =	sld [smem:$0x3FD9]  }
0x89: {  	s3 =	sld [smem:$0x3FFE];
	_ =	sdelay $0x1  }
0x8a: {  	s1 =	srdreg.scid  }
0x8b: {  	s0 =	sand.u32 $0x1, s1  }
0x8c: {  	s15 =	sshll.u32 s0, $0xA;
	s2 =	sadd.s32 s3, s2  }
0x8d: {  	s2 =	sadd.s32 s2, s15  }
0x8e: {  	[smem:$0x3FC6] =	sst s2  }
0x8f: {  	_ = 	snop  }
0x90: {  	s2 =	sld [smem:$0x3FD0];
	_ =	sdelay $0x1  }
0x91: {  	s16 =	sld [smem:$0x3FC9]  }
0x92: {  	s5 =	simm.s32 $0xA;
	s6 =	simm.s32 $0x10;
	s4 =	sld [smem:$0x3FC8]  }
0x93: {  	[smem:s6], [sflag:s5] =	dma.local [hbm:s2], $0x1  }
0x94: {  	_ =	swait.eq [sflag:s5], $0x1  }
0x95: {  	s17 =	sld [smem:$0x10];
	[sflag:s5] =	ssyncset.done $0x0  }
0x96: {  	s18 =	sld [smem:$0x11];
	[sflag:s5] =	ssyncadd.s32 $0xFFFFFFFF  }
0x97: {  	s19 =	sld [smem:$0x12];
	(tm) =	ssettm $0x1  }
0x98: {  	s7 =	sld [smem:$0x3FFB];
	_ =	sdelay $0x3  }
0x99: {  	_ =	strace s7  }
0x9a: {  	s7 =	sld [smem:$0x3FFC];
	_ =	sdelay $0x3  }
0x9b: {  	_ =	strace s7  }
0x9c: {  	s7 =	sld [smem:$0x3FFD];
	_ =	sdelay $0x3  }
0x9d: {  	_ =	strace s7  }
0x9e: {  	_ =	strace $0x8FFFFFFF  }
0x9f: {  	s20 =	sld [smem:$0x3FDB];
	_ =	sdelay $0x1  }
0xa0: {  	s8 =	simm.s32 $_scs_section_size  }
0xa1: {  	s9 =	simm.s32 $_size__tile_overlayer_lowered;
	s10 =	simm.s32 $_tile_overlayer_lowered  }
0xa2: {  	s23 =	simm.s32 $0x1BFF;
	s22 =	sshll.u32 s10, $0x1;
	s7 =	sadd.s32 s8, s20  }
0xa3: {  	s11 =	simm.s32 $0x0;
	s21 =	sshll.u32 s9, $0x1;
	s9 =	sadd.s32 s22, s7  }
0xa4: {  	[timem:s11], [sflag:s23] =	dma.local [hbm:s9], s21  }
0xa5: {  	_ =	swait.ge [sflag:s23], s21  }
0xa6: {  	s8 =	ssub.s32 $0x0, s21;
	[sflag:s23] =	ssyncset.done $0x0  }
0xa7: {  	[sflag:s23] =	ssyncadd.s32 s8;
	_ =	sdelay $0x1  }
0xa8: {  	s24 =	simm.s32 $0x1B8B  }
0xa9: {  	_ =	swait.ge [sflag:s24], $0x1  }
0xaa: {  	[sflag:s24] =	ssyncset.done $0x0  }
0xab: {  	s25 =	simm.s32 $0x1B8E;
	[sflag:s24] =	ssyncadd.s32 $0xFFFFFFFF  }
0xac: {  	s26 =	simm.s32 $execute0_lowered;
	[smem:$0x3FD2] =	sst s25  }
0xad: {  	s8 =	sshll.u32 s26, $0x1;
	_ =	strace $0x80000046;
	[dreg:$0x1] =	wrdreg $0xFFFFFFFF  }
0xae: {  	s28 =	simm.s32 $_size_execute0_lowered;
	s7 =	sadd.s32 s7, s8;
	[dreg:$0x0] =	wrdreg $0x0  }
0xaf: {  	s8 =	sshll.u32 s28, $0x1;
	[dreg:$0x2] =	wrdreg s7  }
0xb0: {  	[dreg:$0x3] =	wrdreg s8  }
0xb1: {  	[dreg:$0x4] =	wrdreg $0xC0  }
0xb2: {  	_ =	task [dreg:s11], $0x5FFFF  }
0xb3: {  	[dreg:$0x1] =	wrdreg $0xFFFFFFFF  }
0xb4: {  	[dreg:$0x0] =	wrdreg $0x60  }
0xb5: {  	[dreg:$0x2] =	wrdreg s16  }
0xb6: {  	[dreg:$0x3] =	wrdreg s4  }
0xb7: {  	[dreg:$0x4] =	wrdreg s17  }
0xb8: {  	[dreg:$0x5] =	wrdreg s18  }
0xb9: {  	[dreg:$0x6] =	wrdreg s19  }
0xba: {  	[dreg:$0x7] =	wrdreg $0x88000  }
0xbb: {  	[dreg:$0x8] =	wrdreg $0x8C000  }
0xbc: {  	[dreg:$0x9] =	wrdreg $0x9  }
0xbd: {  	_ =	task.clear_ibuf [dreg:s11], $0xAFFFF;
	_ =	strace $0x90000046  }
0xbe: {  	s29 =	simm.s32 $0x9;
	_ =	strace $0x80000048  }
0xbf: {  	_ =	swait.ge [sflag:s29], $0x1  }
0xc0: {  	[sflag:s29] =	ssyncadd.s32 $0xFFFFFFFF  }
0xc1: {  	_ =	strace $0x90000048  }
0xc2: {  	_ =	sfence  }
0xc3: {  	s30 =	sld [smem:$0x0];
	_ =	sdelay $0x2  }
0xc4: {  	s31 =	sshll.u32 s1, $0xD;
	s1 =	sshrl.u32 s1, $0x2  }
0xc5: {  	s3 =	sand.u32 $0x4000, s31;
	s1 =	sadd.s32 s1, s30  }
0xc6: {  	s0 =	sor.u32 s3, s0;
	s1 =	sshll.u32 s1, $0x11  }
0xc7: {  	s0 =	sor.u32 s1, s0  }
0xc8: {  	s0 =	sadd.s32 $0x8F2B, s0  }
0xc9: {  	[sflag:s0] =	ssyncadd.remote.s32 $0x1  }
0xca: {  	_ =	sfence.sel $0xFFFF  }
0xcb: {  	[dreg:$0x0] =	wrdreg $0xFFFFFFFF;
	(pc) =	sbr.abs _section_cstart, $3  }
0xcc: {  	[dreg:$0x1] =	wrdreg $0xFFFFFFFF  }
0xcd: {  	_ =	task.clear_ibuf [dreg:s11], $0x2FFFF;
	_ =	strace $0x9FFFFFFF  }
0xce: {  	(tm) =	ssettm $0x7FFFFFFF  }
0xcf: {  	_ =	shalt  }
tec
execute0_lowered:
.L_overlay_start_1:
0x0: {  	(tag) =	ssettag $0x1  }
0x1: {  	s4 =	rddreg [dreg:$0x0]  }
0x2: {  	s1 =	rddreg [dreg:$0x1]  }
0x3: {  	s9 =	rddreg [dreg:$0x2]  }
0x4: {  	s10 =	rddreg [dreg:$0x3]  }
0x5: {  	s11 =	rddreg [dreg:$0x4]  }
0x6: {  	s7 =	rddreg [dreg:$0x5]  }
0x7: {  	s8 =	rddreg [dreg:$0x6]  }
0x8: {  	s0 =	rddreg [dreg:$0x7]  }
0x9: {  	s3 =	simm.s32 $0x0;
	s5 =	srdreg.scid;
	s2 =	stileid.u32  }
0xa: {  	s16 =	simm.s32 $0x80;
	s17 =	simm.s32 $0x400;
	s18 =	simm.s32 $0x2  }
0xb: {  	s19 =	simm.s32 $0x2000;
	s20 =	simm.s32 $0x9000;
	s22 =	simm.s32 $0xA100  }
0xc: {  	s23 =	simm.s32 $0xA180;
	s24 =	simm.s32 $0xA000;
	s25 =	simm.s32 $0xA080  }
0xd: {  	s26 =	simm.s32 $0x0;
	[smem:$0x7FF] =	sst s3;
	s5 =	sand.u32 $0x1, s5  }
0xe: {  	s12 =	sshll.u32 s2, $0x10;
	s28 =	sshll.u32 s2, $0xA;
	s15 =	sshll.u32 s2, $0x7  }
0xf: {  	s30 =	sshll.u32 s2, $0x5;
	p0 =	sgt.u32 s2, $0x7;
	s6 =	ssub.s32 $0x2, s5  }
0x10: {  	s13 =	sshll.u32 s5, $0xF;
	_ =	strace $0x80000047;
	s29 =	sor.u32 s15, s28  }
0x11: {  	s31 =	sshll.u32 s5, $0x4;
	s15 =	simm.s32 $0x8400;
	s21 =	sor.u32 s13, s12  }
0x12: {  	s14 =	sshrl.u32 s6, $0x1;
	s13 =	simm.s32 $0x1;
	s12 =	sshrl.u32 s21, $0x3  }
.Ltmp0:
0x13: {  	v0 =	vlaneseq.u32;
	s14 =	ssub.s32 s6, s14;
	s6 =	sand.u32 $0x2380, s29;
	(pc) =	sbr.rel .LBB2_1-.Ltmp0, $4  }
0x14: {  	v0 =	vor.u32 s21, v0;
	s21 =	simm.s32 $0x9800;
	s4 =	sadd.s32 s4, s12;
	s5 =	sadd.s32 s6, s7  }
0x15: {  	s6 =	sadd.s32 s6, s8;
	s12 =	sor.u32 s31, s30;
	s7 =	sadd.s32 s28, s7  }
0x16: {  	s8 =	sadd.s32 s28, s8;
	s9 =	sadd.s32 s9, s12;
	s10 =	sadd.s32 s10, s12  }
0x17: {  	v1 =	vimm.s32 $0xFFFFFFFF;
	v2 =	vimm.s32 $0x0;
	v3 =	vimm.s32 $0x1;
	s11 =	sadd.s32 s11, s12;
	s12 =	smax.u32 s14, $0x1;
	s14 =	simm.s32 $0x8000  }
.LBB2_5:
0x18: {  	s26 =	sadd.s32 $0x1, s26  }
0x19: {  	p1 =	sne.s32 s26, s12  }
.Ltmp1:
0x1a: {  	_ = 	snop;
	(pc) =	sbr.rel @!p1 .LBB2_6-.Ltmp1, $1  }
0x1b: {  	_ =	sdelay $0x3  }
.LBB2_1:
0x1c: {  	[tilespmem:s3], [sflag:$0x1] =	stream.linear.gather [hbm4b:s4+s3], $0x8000, $0x38;
	[tilespmem:$0xA200] =	vst v63  }
0x1d: {  	[tilespmem:$0x8000] =	vst v1  }
0x1e: {  	[tilespmem:$0x8400] =	vst v2  }
0x1f: {  	[tilespmem:$0x8010] =	vst v1  }
0x20: {  	[tilespmem:$0x8410] =	vst v2  }
0x21: {  	[tilespmem:$0x8020] =	vst v1  }
0x22: {  	[tilespmem:$0x8420] =	vst v2  }
0x23: {  	[tilespmem:$0x8030] =	vst v1  }
0x24: {  	[tilespmem:$0x8430] =	vst v2  }
0x25: {  	[tilespmem:$0x8040] =	vst v1  }
0x26: {  	[tilespmem:$0x8440] =	vst v2  }
0x27: {  	[tilespmem:$0x8050] =	vst v1  }
0x28: {  	[tilespmem:$0x8450] =	vst v2  }
0x29: {  	[tilespmem:$0x8060] =	vst v1  }
0x2a: {  	[tilespmem:$0x8460] =	vst v2  }
0x2b: {  	[tilespmem:$0x8070] =	vst v1  }
0x2c: {  	[tilespmem:$0x8470] =	vst v2  }
0x2d: {  	[tilespmem:$0x8080] =	vst v1  }
0x2e: {  	[tilespmem:$0x8480] =	vst v2  }
0x2f: {  	[tilespmem:$0x8090] =	vst v1  }
0x30: {  	[tilespmem:$0x8490] =	vst v2  }
0x31: {  	[tilespmem:$0x80A0] =	vst v1  }
0x32: {  	[tilespmem:$0x84A0] =	vst v2  }
0x33: {  	[tilespmem:$0x80B0] =	vst v1  }
0x34: {  	[tilespmem:$0x84B0] =	vst v2  }
0x35: {  	[tilespmem:$0x80C0] =	vst v1  }
0x36: {  	[tilespmem:$0x84C0] =	vst v2  }
0x37: {  	[tilespmem:$0x80D0] =	vst v1  }
0x38: {  	[tilespmem:$0x84D0] =	vst v2  }
0x39: {  	[tilespmem:$0x80E0] =	vst v1  }
0x3a: {  	[tilespmem:$0x84E0] =	vst v2  }
0x3b: {  	[tilespmem:$0x80F0] =	vst v1  }
0x3c: {  	[tilespmem:$0x84F0] =	vst v2  }
0x3d: {  	[tilespmem:$0x8100] =	vst v1  }
0x3e: {  	[tilespmem:$0x8500] =	vst v2  }
0x3f: {  	[tilespmem:$0x8110] =	vst v1  }
0x40: {  	[tilespmem:$0x8510] =	vst v2  }
0x41: {  	[tilespmem:$0x8120] =	vst v1  }
0x42: {  	[tilespmem:$0x8520] =	vst v2  }
0x43: {  	[tilespmem:$0x8130] =	vst v1  }
0x44: {  	[tilespmem:$0x8530] =	vst v2  }
0x45: {  	[tilespmem:$0x8140] =	vst v1  }
0x46: {  	[tilespmem:$0x8540] =	vst v2  }
0x47: {  	[tilespmem:$0x8150] =	vst v1  }
0x48: {  	[tilespmem:$0x8550] =	vst v2  }
0x49: {  	[tilespmem:$0x8160] =	vst v1  }
0x4a: {  	[tilespmem:$0x8560] =	vst v2  }
0x4b: {  	[tilespmem:$0x8170] =	vst v1  }
0x4c: {  	[tilespmem:$0x8570] =	vst v2  }
0x4d: {  	[tilespmem:$0x8180] =	vst v1  }
0x4e: {  	[tilespmem:$0x8580] =	vst v2  }
0x4f: {  	[tilespmem:$0x8190] =	vst v1  }
0x50: {  	[tilespmem:$0x8590] =	vst v2  }
0x51: {  	[tilespmem:$0x81A0] =	vst v1  }
0x52: {  	[tilespmem:$0x85A0] =	vst v2  }
0x53: {  	[tilespmem:$0x81B0] =	vst v1  }
0x54: {  	[tilespmem:$0x85B0] =	vst v2  }
0x55: {  	[tilespmem:$0x81C0] =	vst v1  }
0x56: {  	[tilespmem:$0x85C0] =	vst v2  }
0x57: {  	[tilespmem:$0x81D0] =	vst v1  }
0x58: {  	[tilespmem:$0x85D0] =	vst v2  }
0x59: {  	[tilespmem:$0x81E0] =	vst v1  }
0x5a: {  	[tilespmem:$0x85E0] =	vst v2  }
0x5b: {  	[tilespmem:$0x81F0] =	vst v1  }
0x5c: {  	[tilespmem:$0x85F0] =	vst v2  }
0x5d: {  	[tilespmem:$0x8200] =	vst v1  }
0x5e: {  	[tilespmem:$0x8600] =	vst v2  }
0x5f: {  	[tilespmem:$0x8210] =	vst v1  }
0x60: {  	[tilespmem:$0x8610] =	vst v2  }
0x61: {  	[tilespmem:$0x8220] =	vst v1  }
0x62: {  	[tilespmem:$0x8620] =	vst v2  }
0x63: {  	[tilespmem:$0x8230] =	vst v1  }
0x64: {  	[tilespmem:$0x8630] =	vst v2  }
0x65: {  	[tilespmem:$0x8240] =	vst v1  }
0x66: {  	[tilespmem:$0x8640] =	vst v2  }
0x67: {  	[tilespmem:$0x8250] =	vst v1  }
0x68: {  	[tilespmem:$0x8650] =	vst v2  }
0x69: {  	[tilespmem:$0x8260] =	vst v1  }
0x6a: {  	[tilespmem:$0x8660] =	vst v2  }
0x6b: {  	[tilespmem:$0x8270] =	vst v1  }
0x6c: {  	[tilespmem:$0x8670] =	vst v2  }
0x6d: {  	[tilespmem:$0x8280] =	vst v1  }
0x6e: {  	[tilespmem:$0x8680] =	vst v2  }
0x6f: {  	[tilespmem:$0x8290] =	vst v1  }
0x70: {  	[tilespmem:$0x8690] =	vst v2  }
0x71: {  	[tilespmem:$0x82A0] =	vst v1  }
0x72: {  	[tilespmem:$0x86A0] =	vst v2  }
0x73: {  	[tilespmem:$0x82B0] =	vst v1  }
0x74: {  	[tilespmem:$0x86B0] =	vst v2  }
0x75: {  	[tilespmem:$0x82C0] =	vst v1  }
0x76: {  	[tilespmem:$0x86C0] =	vst v2  }
0x77: {  	[tilespmem:$0x82D0] =	vst v1  }
0x78: {  	[tilespmem:$0x86D0] =	vst v2  }
0x79: {  	[tilespmem:$0x82E0] =	vst v1  }
0x7a: {  	[tilespmem:$0x86E0] =	vst v2  }
0x7b: {  	[tilespmem:$0x82F0] =	vst v1  }
0x7c: {  	[tilespmem:$0x86F0] =	vst v2  }
0x7d: {  	[tilespmem:$0x8300] =	vst v1  }
0x7e: {  	[tilespmem:$0x8700] =	vst v2  }
0x7f: {  	[tilespmem:$0x8310] =	vst v1  }
0x80: {  	[tilespmem:$0x8710] =	vst v2  }
0x81: {  	[tilespmem:$0x8320] =	vst v1  }
0x82: {  	[tilespmem:$0x8720] =	vst v2  }
0x83: {  	[tilespmem:$0x8330] =	vst v1  }
0x84: {  	[tilespmem:$0x8730] =	vst v2  }
0x85: {  	[tilespmem:$0x8340] =	vst v1  }
0x86: {  	[tilespmem:$0x8740] =	vst v2  }
0x87: {  	[tilespmem:$0x8350] =	vst v1  }
0x88: {  	[tilespmem:$0x8750] =	vst v2  }
0x89: {  	[tilespmem:$0x8360] =	vst v1  }
0x8a: {  	[tilespmem:$0x8760] =	vst v2  }
0x8b: {  	[tilespmem:$0x8370] =	vst v1  }
0x8c: {  	[tilespmem:$0x8770] =	vst v2  }
0x8d: {  	[tilespmem:$0x8380] =	vst v1  }
0x8e: {  	[tilespmem:$0x8780] =	vst v2  }
0x8f: {  	[tilespmem:$0x8390] =	vst v1  }
0x90: {  	[tilespmem:$0x8790] =	vst v2  }
0x91: {  	[tilespmem:$0x83A0] =	vst v1  }
0x92: {  	[tilespmem:$0x87A0] =	vst v2  }
0x93: {  	[tilespmem:$0x83B0] =	vst v1  }
0x94: {  	[tilespmem:$0x87B0] =	vst v2  }
0x95: {  	[tilespmem:$0x83C0] =	vst v1  }
0x96: {  	[tilespmem:$0x87C0] =	vst v2  }
0x97: {  	[tilespmem:$0x83D0] =	vst v1  }
0x98: {  	[tilespmem:$0x87D0] =	vst v2  }
0x99: {  	[tilespmem:$0x83E0] =	vst v1  }
0x9a: {  	[tilespmem:$0x87E0] =	vst v2  }
0x9b: {  	[tilespmem:$0x83F0] =	vst v1  }
0x9c: {  	[tilespmem:$0x87F0] =	vst v2  }
0x9d: {  	_ =	swait.ge [sflag:s13], $0x8000  }
0x9e: {  	[sflag:s13] =	ssyncset.done $0x0  }
0x9f: {  	s28 =	simm.s32 $0x70;
	s29 =	simm.s32 $0x40;
	[sflag:s13] =	ssyncadd.s32 $0xFFFF8000  }
.LBB2_2:
0xa0: {  	v4 =	vld [tilespmem:s29+$0xFFFFFFC0];
	_ =	sdelay $0x5  }
0xa1: {  	s30 =	sadd.s32 $0xFFFFFF90, s28  }
0xa2: {  	v5 =	vor.u32 s30, v0  }
0xa3: {  	[tilespmem:v4+s14+$0x0] =	vst.idx.msk $0xffff, v5  }
0xa4: {  	[tilespmem:v4+s15+$0x0] =	vst.idx.add.s32.msk $0xffff, v3  }
0xa5: {  	v4 =	vld [tilespmem:s29+$0xFFFFFFD0];
	_ =	sdelay $0x5  }
0xa6: {  	s31 =	sadd.s32 $0xFFFFFFA0, s28  }
0xa7: {  	v5 =	vor.u32 s31, v0  }
0xa8: {  	[tilespmem:v4+s14+$0x0] =	vst.idx.msk $0xffff, v5  }
0xa9: {  	[tilespmem:v4+s15+$0x0] =	vst.idx.add.s32.msk $0xffff, v3  }
0xaa: {  	v4 =	vld [tilespmem:s29+$0xFFFFFFE0];
	_ =	sdelay $0x5  }
0xab: {  	s31 =	sadd.s32 $0xFFFFFFB0, s28  }
0xac: {  	v5 =	vor.u32 s31, v0  }
0xad: {  	[tilespmem:v4+s14+$0x0] =	vst.idx.msk $0xffff, v5  }
0xae: {  	[tilespmem:v4+s15+$0x0] =	vst.idx.add.s32.msk $0xffff, v3  }
0xaf: {  	v4 =	vld [tilespmem:s29+$0xFFFFFFF0];
	_ =	sdelay $0x5  }
0xb0: {  	s31 =	sadd.s32 $0xFFFFFFC0, s28  }
0xb1: {  	v5 =	vor.u32 s31, v0  }
0xb2: {  	[tilespmem:v4+s14+$0x0] =	vst.idx.msk $0xffff, v5  }
0xb3: {  	[tilespmem:v4+s15+$0x0] =	vst.idx.add.s32.msk $0xffff, v3  }
0xb4: {  	v4 =	vld [tilespmem:s29+$0x0];
	_ =	sdelay $0x5  }
0xb5: {  	s31 =	sadd.s32 $0xFFFFFFD0, s28  }
0xb6: {  	v5 =	vor.u32 s31, v0  }
0xb7: {  	[tilespmem:v4+s14+$0x0] =	vst.idx.msk $0xffff, v5  }
0xb8: {  	[tilespmem:v4+s15+$0x0] =	vst.idx.add.s32.msk $0xffff, v3  }
0xb9: {  	v4 =	vld [tilespmem:s29+$0x10];
	_ =	sdelay $0x5  }
0xba: {  	s31 =	sadd.s32 $0xFFFFFFE0, s28  }
0xbb: {  	v5 =	vor.u32 s31, v0  }
0xbc: {  	[tilespmem:v4+s14+$0x0] =	vst.idx.msk $0xffff, v5  }
0xbd: {  	[tilespmem:v4+s15+$0x0] =	vst.idx.add.s32.msk $0xffff, v3  }
0xbe: {  	v4 =	vld [tilespmem:s29+$0x20];
	_ =	sdelay $0x5  }
0xbf: {  	s31 =	sadd.s32 $0xFFFFFFF0, s28  }
0xc0: {  	v5 =	vor.u32 s31, v0  }
0xc1: {  	[tilespmem:v4+s14+$0x0] =	vst.idx.msk $0xffff, v5  }
0xc2: {  	[tilespmem:v4+s15+$0x0] =	vst.idx.add.s32.msk $0xffff, v3  }
0xc3: {  	v4 =	vld [tilespmem:s29+$0x30];
	_ =	sdelay $0x3  }
0xc4: {  	p1 =	sne.s32 s28, $0x7FF0  }
.Ltmp2:
0xc5: {  	_ = 	snop;
	(pc) =	sbr.rel @p1 .LBB2_2-.Ltmp2, $4  }
0xc6: {  	_ = 	snop  }
0xc7: {  	v5 =	vor.u32 s28, v0  }
0xc8: {  	[tilespmem:v4+s14+$0x0] =	vst.idx.msk $0xffff, v5  }
0xc9: {  	s28 =	sadd.s32 $0x80, s28;
	s29 =	sadd.s32 $0x80, s29;
	[tilespmem:v4+s15+$0x0] =	vst.idx.add.s32.msk $0xffff, v3  }
0xca: {  	[spmem:s5] =	stream.strided.scatter [tilespmem:s14], [sflag:$0x2], $0x400, s17, s16, $0x38;
	[tilespmem:$0xA200] =	vst v63  }
0xcb: {  	_ =	swait.ge [sflag:s18], $0x400  }
0xcc: {  	[sflag:s18] =	ssyncset.done $0x0  }
0xcd: {  	[sflag:s18] =	ssyncadd.s32 $0xFFFFFC00  }
0xce: {  	[spmem:s6] =	stream.strided.scatter [tilespmem:s15], [sflag:$0x2], $0x400, s17, s16, $0x38;
	[tilespmem:$0xA200] =	vst v63  }
.Ltmp3:
0xcf: {  	_ =	swait.ge [sflag:s18], $0x400;
	(pc) =	sbr.rel @p0 .LBB2_5-.Ltmp3, $3  }
0xd0: {  	[sflag:s18] =	ssyncset.done $0x0  }
0xd1: {  	[sflag:s18] =	ssyncadd.s32 $0xFFFFFC00  }
0xd2: {  	[bflag:$0x0] =	sbarrier.arrive $0xFFFF;
	_ =	sdelay $0x1  }
0xd3: {  	[tilespmem:s20], [sflag:$0x2] =	stream.strided.gather [spmem:s7], $0x800, s19, s17, $0x38;
	[tilespmem:$0xA200] =	vst v63  }
0xd4: {  	_ =	swait.ge [sflag:s18], $0x800  }
0xd5: {  	[sflag:s18] =	ssyncset.done $0x0  }
0xd6: {  	[sflag:s18] =	ssyncadd.s32 $0xFFFFF800  }
0xd7: {  	[tilespmem:s21], [sflag:$0x2] =	stream.strided.gather [spmem:s8], $0x800, s19, s17, $0x38;
	[tilespmem:$0xA200] =	vst v63  }
0xd8: {  	_ =	swait.ge [sflag:s18], $0x800  }
0xd9: {  	[sflag:s18] =	ssyncset.done $0x0  }
0xda: {  	[sflag:s18] =	ssyncadd.s32 $0xFFFFF800  }
0xdb: {  	v40 =	vld [tilespmem:$0x9000]  }
0xdc: {  	v62 =	vld [tilespmem:$0x9800]  }
0xdd: {  	v5 =	vld [tilespmem:$0x9080]  }
0xde: {  	v56 =	vld [tilespmem:$0x9880]  }
0xdf: {  	v7 =	vld [tilespmem:$0x9100]  }
0xe0: {  	v59 =	vld [tilespmem:$0x9900]  }
0xe1: {  	v8 =	vld [tilespmem:$0x9180]  }
0xe2: {  	v4 =	vld [tilespmem:$0x9980]  }
0xe3: {  	v37 =	vld [tilespmem:$0x9200]  }
0xe4: {  	v42 =	vld [tilespmem:$0x9280]  }
0xe5: {  	v44 =	vld [tilespmem:$0x9300]  }
0xe6: {  	v48 =	vld [tilespmem:$0x9380]  }
0xe7: {  	v11 =	vld [tilespmem:$0x9400]  }
0xe8: {  	v13 =	vld [tilespmem:$0x9480]  }
0xe9: {  	v45 =	vld [tilespmem:$0x9500]  }
0xea: {  	v43 =	vld [tilespmem:$0x9580]  }
0xeb: {  	v20 =	vld [tilespmem:$0x9600]  }
0xec: {  	v41 =	vld [tilespmem:$0x9680]  }
0xed: {  	v46 =	vld [tilespmem:$0x9700]  }
0xee: {  	v28 =	vld [tilespmem:$0x9780]  }
0xef: {  	v6 =	vld [tilespmem:$0x9010]  }
0xf0: {  	v9 =	vld [tilespmem:$0x9890]  }
0xf1: {  	v10 =	vld [tilespmem:$0x9910]  }
0xf2: {  	v12 =	vld [tilespmem:$0x9990]  }
0xf3: {  	v14 =	vld [tilespmem:$0x9A10]  }
0xf4: {  	v15 =	vld [tilespmem:$0x9A90]  }
0xf5: {  	v16 =	vld [tilespmem:$0x9B10]  }
0xf6: {  	v18 =	vld [tilespmem:$0x9390]  }
0xf7: {  	v39 =	vld [tilespmem:$0x9B90]  }
0xf8: {  	v21 =	vld [tilespmem:$0x9410]  }
0xf9: {  	v47 =	vld [tilespmem:$0x9C10]  }
0xfa: {  	v23 =	vld [tilespmem:$0x9490]  }
0xfb: {  	v49 =	vld [tilespmem:$0x9C90]  }
0xfc: {  	v25 =	vld [tilespmem:$0x9510]  }
0xfd: {  	v50 =	vld [tilespmem:$0x9D10]  }
0xfe: {  	v29 =	vld [tilespmem:$0x9590]  }
0xff: {  	v51 =	vld [tilespmem:$0x9D90]  }
0x100: {  	v30 =	vld [tilespmem:$0x9610]  }
0x101: {  	v52 =	vld [tilespmem:$0x9E10]  }
0x102: {  	v33 =	vld [tilespmem:$0x9690]  }
0x103: {  	v53 =	vld [tilespmem:$0x9E90]  }
0x104: {  	v54 =	vld [tilespmem:$0x9F10]  }
0x105: {  	v55 =	vld [tilespmem:$0x9F90]  }
0x106: {  	v17 =	vld [tilespmem:$0x9020]  }
0x107: {  	v57 =	vld [tilespmem:$0x9820]  }
0x108: {  	v19 =	vld [tilespmem:$0x98A0]  }
0x109: {  	v22 =	vld [tilespmem:$0x9920]  }
0x10a: {  	v24 =	vld [tilespmem:$0x99A0]  }
0x10b: {  	v26 =	vld [tilespmem:$0x9A20]  }
0x10c: {  	v27 =	vld [tilespmem:$0x9AA0]  }
0x10d: {  	v32 =	vld [tilespmem:$0x9320]  }
0x10e: {  	v58 =	vld [tilespmem:$0x9B20]  }
0x10f: {  	v35 =	vld [tilespmem:$0x93A0]  }
0x110: {  	v60 =	vld [tilespmem:$0x9BA0]  }
0x111: {  	v38 =	vld [tilespmem:$0x9420]  }
0x112: {  	v61 =	vld [tilespmem:$0x9C20]  }
0x113: {  	v63 =	vld [tilespmem:$0x9CA0]  }
0x114: {  	v31 =	vld [tilespmem:$0x9D20]  }
0x115: {  	v34 =	vld [tilespmem:$0x9DA0]  }
0x116: {  	v36 =	vld [tilespmem:$0x9E20]  }
0x117: {  	[tilespmem:$0x1FA70] =	vst v4;
	v4 =	vld [tilespmem:$0x9A00]  }
0x118: {  	[tilespmem:$0x1FB50] =	vst v9;
	v9 =	vld [tilespmem:$0x9110]  }
0x119: {  	[tilespmem:$0x1FB60] =	vst v10;
	v10 =	vld [tilespmem:$0x9190]  }
0x11a: {  	[tilespmem:$0x1FB70] =	vst v12;
	v12 =	vld [tilespmem:$0x9210]  }
0x11b: {  	[tilespmem:$0x1FB80] =	vst v14;
	v14 =	vld [tilespmem:$0x9290]  }
0x11c: {  	[tilespmem:$0x1FB90] =	vst v15;
	v15 =	vld [tilespmem:$0x9310]  }
0x11d: {  	[tilespmem:$0x1FBC0] =	vst v47;
	v47 =	vld [tilespmem:$0x9710]  }
0x11e: {  	[tilespmem:$0x1FBF0] =	vst v51;
	v51 =	vld [tilespmem:$0x9790]  }
0x11f: {  	[tilespmem:$0x1FBA0] =	vst v16;
	v16 =	vld [tilespmem:$0x90A0]  }
0x120: {  	[tilespmem:$0x1FC50] =	vst v19;
	v19 =	vld [tilespmem:$0x9120]  }
0x121: {  	[tilespmem:$0x1FC60] =	vst v22;
	v22 =	vld [tilespmem:$0x91A0]  }
0x122: {  	[tilespmem:$0x1FC70] =	vst v24;
	v24 =	vld [tilespmem:$0x9220]  }
0x123: {  	[tilespmem:$0x1FC80] =	vst v26;
	v26 =	vld [tilespmem:$0x92A0]  }
0x124: {  	[tilespmem:$0x1FBD0] =	vst v49;
	v49 =	vld [tilespmem:$0x94A0]  }
0x125: {  	[tilespmem:$0x1FC00] =	vst v52;
	v52 =	vld [tilespmem:$0x9520]  }
0x126: {  	[tilespmem:$0x1FC20] =	vst v54;
	v54 =	vld [tilespmem:$0x95A0]  }
0x127: {  	[tilespmem:$0x1FCB0] =	vst v60;
	v60 =	vld [tilespmem:$0x9620]  }
0x128: {  	[tilespmem:$0x1FCD0] =	vst v63;
	v63 =	vld [tilespmem:$0x9C30]  }
0x129: {  	[tilespmem:$0x1FC40] =	vst v57;
	v57 =	vld [tilespmem:$0x96A0]  }
0x12a: {  	[tilespmem:$0x1FBB0] =	vst v39;
	v39 =	vld [tilespmem:$0x9EA0]  }
0x12b: {  	[tilespmem:$0x1FBE0] =	vst v50;
	v50 =	vld [tilespmem:$0x9720]  }
0x12c: {  	[tilespmem:$0x1FA80] =	vst v4;
	v4 =	vld [tilespmem:$0x9A80]  }
0x12d: {  	[tilespmem:$0x1FE00] =	vst v63;
	v63 =	vld [tilespmem:$0x9CB0]  }
0x12e: {  	[tilespmem:$0x1FC10] =	vst v53;
	v53 =	vld [tilespmem:$0x9F20]  }
0x12f: {  	[tilespmem:$0x1FC30] =	vst v55;
	v55 =	vld [tilespmem:$0x97A0]  }
0x130: {  	[tilespmem:$0x1FCA0] =	vst v58;
	v58 =	vld [tilespmem:$0x9FA0]  }
0x131: {  	[tilespmem:$0x1FA90] =	vst v4;
	v4 =	vld [tilespmem:$0x9B00]  }
0x132: {  	[tilespmem:$0x1FE20] =	vst v63;
	v63 =	vld [tilespmem:$0x9530]  }
0x133: {  	[tilespmem:$0x1FCE0] =	vst v31;
	v31 =	vld [tilespmem:$0x9030]  }
0x134: {  	[tilespmem:$0x1FCC0] =	vst v61;
	v61 =	vld [tilespmem:$0x9830]  }
0x135: {  	[tilespmem:$0x1FC90] =	vst v27;
	v27 =	vld [tilespmem:$0x90B0]  }
0x136: {  	[tilespmem:$0x1FAA0] =	vst v4;
	v4 =	vld [tilespmem:$0x9B80]  }
0x137: {  	[tilespmem:$0x1FDB0] =	vst v63;
	v63 =	vld [tilespmem:$0x9D30]  }
0x138: {  	[tilespmem:$0x1FCF0] =	vst v34;
	v34 =	vld [tilespmem:$0x98B0]  }
0x139: {  	[tilespmem:$0x1FD00] =	vst v36;
	v36 =	vld [tilespmem:$0x9930]  }
0x13a: {  	v56 =	vadd.s32 v62, v56;
	v62 =	vld [tilespmem:$0x92C0]  }
0x13b: {  	[tilespmem:$0x1FAB0] =	vst v4;
	v4 =	vld [tilespmem:$0x9C00]  }
0x13c: {  	vm0 =	vgt.s32 v40, v5;
	[tilespmem:$0x1FE30] =	vst v63;
	v63 =	vld [tilespmem:$0x95B0]  }
0x13d: {  	v5 =	vsel vm0, v40, v5;
	v40 =	vld [tilespmem:$0x9FB0]  }
0x13e: {  	[tilespmem:$0x1FD60] =	vst v34;
	v34 =	vld [tilespmem:$0x9130]  }
0x13f: {  	[tilespmem:$0x1FD80] =	vst v36;
	v36 =	vld [tilespmem:$0x91B0]  }
0x140: {  	[tilespmem:$0x1FAC0] =	vst v4;
	v4 =	vld [tilespmem:$0x9C80]  }
0x141: {  	[tilespmem:$0x1FDE0] =	vst v63;
	v63 =	vld [tilespmem:$0x9DB0]  }
0x142: {  	[tilespmem:$0x1FD20] =	vst v39;
	v39 =	vld [tilespmem:$0x99B0]  }
0x143: {  	[tilespmem:$0x1FD10] =	vst v50;
	v50 =	vld [tilespmem:$0x9A30]  }
0x144: {  	[tilespmem:$0x1FD30] =	vst v53;
	v53 =	vld [tilespmem:$0x9AB0]  }
0x145: {  	[tilespmem:$0x1FAD0] =	vst v4;
	v4 =	vld [tilespmem:$0x9D00]  }
0x146: {  	[tilespmem:$0x1FE50] =	vst v63;
	v63 =	vld [tilespmem:$0x9630]  }
0x147: {  	[tilespmem:$0x1FD40] =	vst v55;
	v55 =	vld [tilespmem:$0x9B30]  }
0x148: {  	[tilespmem:$0x1FD70] =	vst v58;
	v58 =	vld [tilespmem:$0x9BB0]  }
0x149: {  	vm0 =	vgt.s32 v5, v7;
	[tilespmem:$0x1FD50] =	vst v61;
	v61 =	vld [tilespmem:$0x9430]  }
0x14a: {  	v5 =	vsel vm0, v5, v7;
	[tilespmem:$0x1FAE0] =	vst v4;
	v4 =	vld [tilespmem:$0x9D80]  }
0x14b: {  	vm0 =	vgt.s32 v5, v8;
	[tilespmem:$0x1FE10] =	vst v63;
	v63 =	vld [tilespmem:$0x9E30]  }
0x14c: {  	v5 =	vsel vm0, v5, v8;
	v8 =	vld [tilespmem:$0x94C0]  }
0x14d: {  	[tilespmem:$0x1FEB0] =	vst v40;
	v40 =	vld [tilespmem:$0x9040]  }
0x14e: {  	v59 =	vadd.s32 v59, v56;
	v56 =	vld [tilespmem:$0x1FA80]  }
0x14f: {  	vm0 =	vgt.s32 v5, v37;
	[tilespmem:$0x1FAF0] =	vst v4;
	v4 =	vld [tilespmem:$0x9E00]  }
0x150: {  	v5 =	vsel vm0, v5, v37;
	[tilespmem:$0x1FE60] =	vst v63;
	v63 =	vld [tilespmem:$0x96B0]  }
0x151: {  	v37 =	vld [tilespmem:$0x90C0];
	vm0 =	vgt.s32 v5, v42  }
0x152: {  	v5 =	vsel vm0, v5, v42;
	v42 =	vld [tilespmem:$0x9140]  }
0x153: {  	[tilespmem:$0x1FD90] =	vst v39;
	v39 =	vld [tilespmem:$0x9230]  }
0x154: {  	[tilespmem:$0x1FB00] =	vst v4;
	v4 =	vld [tilespmem:$0x9E80]  }
0x155: {  	vm0 =	vgt.s32 v5, v44;
	[tilespmem:$0x1FE40] =	vst v63;
	v63 =	vld [tilespmem:$0x9EB0]  }
0x156: {  	[tilespmem:$0x1FDA0] =	vst v50;
	v50 =	vld [tilespmem:$0x92B0];
	v5 =	vsel vm0, v5, v44  }
0x157: {  	[tilespmem:$0x1FDC0] =	vst v53;
	v53 =	vld [tilespmem:$0x9330];
	vm0 =	vgt.s32 v5, v48  }
0x158: {  	[tilespmem:$0x1FDD0] =	vst v55;
	v55 =	vld [tilespmem:$0x93B0];
	v5 =	vsel vm0, v5, v48  }
0x159: {  	vm0 =	vgt.s32 v5, v11;
	[tilespmem:$0x1FB10] =	vst v4;
	v4 =	vld [tilespmem:$0x9F00]  }
0x15a: {  	v5 =	vsel vm0, v5, v11;
	[tilespmem:$0x1FE80] =	vst v63;
	v63 =	vld [tilespmem:$0x9730]  }
0x15b: {  	[tilespmem:$0x1FDF0] =	vst v58;
	v58 =	vld [tilespmem:$0x94B0];
	vm0 =	vgt.s32 v5, v13  }
0x15c: {  	v44 =	vld [tilespmem:$0x91C0];
	v5 =	vsel vm0, v5, v13  }
0x15d: {  	v48 =	vld [tilespmem:$0x9240];
	vm0 =	vgt.s32 v5, v45  }
0x15e: {  	v5 =	vsel vm0, v5, v45;
	[tilespmem:$0x1FB20] =	vst v4;
	v4 =	vld [tilespmem:$0x9F80]  }
0x15f: {  	vm15 =	vgt.s32 v40, v37;
	vm0 =	vgt.s32 v5, v43;
	[tilespmem:$0x1FE70] =	vst v63;
	v63 =	vld [tilespmem:$0x9F30]  }
0x160: {  	v40 =	vsel vm15, v40, v37;
	v37 =	vld [tilespmem:$0x96D0];
	v5 =	vsel vm0, v5, v43  }
0x161: {  	v11 =	vld [tilespmem:$0x1FA70];
	vm0 =	vgt.s32 v5, v20  }
0x162: {  	v45 =	vld [tilespmem:$0x93C0];
	v5 =	vsel vm0, v5, v20  }
0x163: {  	vm0 =	vgt.s32 v5, v41;
	[tilespmem:$0x1FB30] =	vst v4;
	v4 =	vld [tilespmem:$0x9810]  }
0x164: {  	v5 =	vsel vm0, v5, v41;
	[tilespmem:$0x1FE90] =	vst v63;
	v63 =	vld [tilespmem:$0x97B0]  }
0x165: {  	v13 =	vld [tilespmem:$0x1FAB0];
	vm0 =	vgt.s32 v5, v46  }
0x166: {  	v5 =	vsel vm0, v5, v46;
	v46 =	vld [tilespmem:$0x9DC0]  }
0x167: {  	v43 =	vld [tilespmem:$0x9440]  }
0x168: {  	[tilespmem:$0x1FB40] =	vst v4;
	v4 =	vld [tilespmem:$0x9090]  }
0x169: {  	[tilespmem:$0x1FEA0] =	vst v63;
	v63 =	vld [tilespmem:$0x9840]  }
0x16a: {  	v41 =	vld [tilespmem:$0x9540];
	vm0 =	vgt.s32 v5, v28  }
0x16b: {  	[tilespmem:$0x1FF70] =	vst v46;
	v46 =	vsel vm0, v5, v28;
	v28 =	vld [tilespmem:$0x9640]  }
0x16c: {  	v20 =	vld [tilespmem:$0x1FB20]  }
0x16d: {  	v5 =	vld [tilespmem:$0x1FB30]  }
0x16e: {  	[tilespmem:$0x1FEC0] =	vst v63;
	v63 =	vld [tilespmem:$0x98C0];
	vm1 =	vgt.s32 v6, v4  }
0x16f: {  	v4 =	vsel vm1, v6, v4;
	v6 =	vadd.s32 v11, v59;
	v59 =	vld [tilespmem:$0x9B40]  }
0x170: {  	v11 =	vld [tilespmem:$0x9BC0]  }
0x171: {  	vm1 =	vgt.s32 v4, v9;
	v6 =	vadd.s32 v56, v6;
	v56 =	vld [tilespmem:$0x1FAC0]  }
0x172: {  	v4 =	vsel vm1, v4, v9;
	v9 =	vld [tilespmem:$0x1FA90]  }
0x173: {  	vm1 =	vgt.s32 v4, v10;
	[tilespmem:$0x1FED0] =	vst v63;
	v63 =	vld [tilespmem:$0x9940]  }
0x174: {  	v4 =	vsel vm1, v4, v10;
	v10 =	vld [tilespmem:$0x1FAA0]  }
0x175: {  	[tilespmem:$0x1FF20] =	vst v59;
	v59 =	vld [tilespmem:$0x9C40]  }
0x176: {  	vm1 =	vgt.s32 v4, v12;
	[tilespmem:$0x1FF30] =	vst v11;
	v11 =	vld [tilespmem:$0x9CC0]  }
0x177: {  	v4 =	vsel vm1, v4, v12;
	v12 =	vld [tilespmem:$0x1FAF0]  }
0x178: {  	v6 =	vadd.s32 v9, v6;
	vm1 =	vgt.s32 v4, v14;
	v9 =	vld [tilespmem:$0x1FAD0]  }
0x179: {  	v4 =	vsel vm1, v4, v14;
	v14 =	vld [tilespmem:$0x9D40]  }
0x17a: {  	[tilespmem:$0x1FEE0] =	vst v63;
	v63 =	vld [tilespmem:$0x99C0]  }
0x17b: {  	v6 =	vadd.s32 v10, v6;
	v10 =	vld [tilespmem:$0x1FAE0]  }
0x17c: {  	vm1 =	vgt.s32 v4, v15;
	v6 =	vadd.s32 v13, v6;
	v13 =	vld [tilespmem:$0x1FB00]  }
0x17d: {  	v4 =	vsel vm1, v4, v15;
	v15 =	vld [tilespmem:$0x1FB10]  }
0x17e: {  	vm11 =	vgt.s32 v17, v16;
	[tilespmem:$0x1FF40] =	vst v59;
	v59 =	vld [tilespmem:$0x1FB50]  }
0x17f: {  	[tilespmem:$0x1FF50] =	vst v11;
	v11 =	vsel vm11, v17, v16;
	v16 =	vld [tilespmem:$0x1FB90]  }
0x180: {  	v17 =	vld [tilespmem:$0x9F40]  }
0x181: {  	v6 =	vadd.s32 v56, v6;
	v56 =	vld [tilespmem:$0x95C0]  }
0x182: {  	vm1 =	vgt.s32 v4, v18;
	v6 =	vadd.s32 v9, v6;
	v9 =	vld [tilespmem:$0x9E40]  }
0x183: {  	v4 =	vsel vm1, v4, v18;
	v18 =	vld [tilespmem:$0x1FBA0]  }
0x184: {  	[tilespmem:$0x1FF60] =	vst v14;
	v14 =	vld [tilespmem:$0x1FB80]  }
0x185: {  	[tilespmem:$0x1FEF0] =	vst v63;
	v63 =	vld [tilespmem:$0x9A40]  }
0x186: {  	vm1 =	vgt.s32 v4, v21;
	v6 =	vadd.s32 v10, v6;
	v10 =	vld [tilespmem:$0x1FB60]  }
0x187: {  	v4 =	vsel vm1, v4, v21;
	v21 =	vld [tilespmem:$0x1FBC0]  }
0x188: {  	vm13 =	vgt.s32 v31, v27;
	v6 =	vadd.s32 v12, v6;
	v12 =	vld [tilespmem:$0x1FB70]  }
0x189: {  	[tilespmem:$0x1FFA0] =	vst v17;
	v17 =	vsel vm13, v31, v27;
	v27 =	vld [tilespmem:$0x9AD0]  }
0x18a: {  	v31 =	vld [tilespmem:$0x1FCC0]  }
0x18b: {  	vm10 =	vgt.s32 v4, v23;
	v6 =	vadd.s32 v13, v6;
	v13 =	vld [tilespmem:$0x9EC0]  }
0x18c: {  	vm1 =	vgt.s32 v11, v19;
	v4 =	vsel vm10, v4, v23;
	v23 =	vld [tilespmem:$0x1FBD0]  }
0x18d: {  	v6 =	vadd.s32 v15, v6;
	v15 =	vsel vm1, v11, v19;
	v19 =	vld [tilespmem:$0x1FBB0]  }
0x18e: {  	vm0 =	vgt.s32 v4, v25;
	v6 =	vadd.s32 v20, v6;
	v20 =	vld [tilespmem:$0x9FC0]  }
0x18f: {  	v4 =	vsel vm0, v4, v25;
	v25 =	vld [tilespmem:$0x1FBE0]  }
0x190: {  	[tilespmem:$0x1FF00] =	vst v63;
	v63 =	vld [tilespmem:$0x9AC0]  }
0x191: {  	vm1 =	vgt.s32 v15, v22;
	v5 =	vadd.s32 v5, v6;
	v6 =	vld [tilespmem:$0x9740]  }
0x192: {  	v7 =	vsel vm1, v15, v22;
	v15 =	vld [tilespmem:$0x1FC50]  }
0x193: {  	vm0 =	vgt.s32 v4, v29;
	[tilespmem:$0x1FFE0] =	vst v5;
	v5 =	vld [tilespmem:$0x1FB40]  }
0x194: {  	v4 =	vsel vm0, v4, v29;
	vm1 =	vgt.s32 v7, v24;
	v29 =	vld [tilespmem:$0x98D0]  }
0x195: {  	vm0 =	vgt.s32 v4, v30;
	v7 =	vsel vm1, v7, v24;
	v24 =	vld [tilespmem:$0x9850]  }
0x196: {  	v22 =	vsel vm0, v4, v30;
	v4 =	vld [tilespmem:$0x9050]  }
0x197: {  	vm1 =	vgt.s32 v7, v26;
	v30 =	vld [tilespmem:$0x90D0]  }
0x198: {  	v7 =	vsel vm1, v7, v26;
	v26 =	vld [tilespmem:$0x1FBF0]  }
0x199: {  	[tilespmem:$0x1FFB0] =	vst v20;
	v20 =	vld [tilespmem:$0x1FC70]  }
0x19a: {  	vm0 =	vgt.s32 v22, v33;
	[tilespmem:$0x1FF10] =	vst v63;
	v63 =	vld [tilespmem:$0x9340]  }
0x19b: {  	[tilespmem:$0x1FF80] =	vst v9;
	v9 =	vsel vm0, v22, v33;
	v33 =	vld [tilespmem:$0x1FC00]  }
0x19c: {  	v22 =	vld [tilespmem:$0x9250]  }
0x19d: {  	v5 =	vadd.s32 v5, v59;
	v59 =	vld [tilespmem:$0x96C0]  }
0x19e: {  	vm1 =	vgt.s32 v7, v32;
	[tilespmem:$0x1FFD0] =	vst v29;
	v29 =	vld [tilespmem:$0x91D0]  }
0x19f: {  	vm0 =	vgt.s32 v9, v47;
	v7 =	vsel vm1, v7, v32;
	v32 =	vld [tilespmem:$0x1FCD0]  }
0x1a0: {  	v9 =	vsel vm0, v9, v47;
	v47 =	vld [tilespmem:$0x1FC10]  }
0x1a1: {  	v5 =	vadd.s32 v10, v5;
	[tilespmem:$0x1FFC0] =	vst v24;
	v24 =	vld [tilespmem:$0x1FCA0]  }
0x1a2: {  	vm1 =	vgt.s32 v7, v35;
	v5 =	vadd.s32 v12, v5;
	v12 =	vld [tilespmem:$0x1FC20]  }
0x1a3: {  	[tilespmem:$0x1FF90] =	vst v13;
	v13 =	vsel vm1, v7, v35;
	v7 =	vld [tilespmem:$0x99D0]  }
0x1a4: {  	vm1 =	vgt.s32 v17, v34;
	v5 =	vadd.s32 v14, v5;
	v14 =	vld [tilespmem:$0x1FC30]  }
0x1a5: {  	vm0 =	vgt.s32 v9, v51;
	v11 =	vsel vm1, v17, v34;
	v34 =	vld [tilespmem:$0x9350]  }
0x1a6: {  	v9 =	vsel vm0, v9, v51;
	v51 =	vld [tilespmem:$0x9BD0]  }
0x1a7: {  	v17 =	vld [tilespmem:$0x9E50]  }
0x1a8: {  	vm12 =	vgt.s32 v13, v38;
	v5 =	vadd.s32 v16, v5;
	v16 =	vld [tilespmem:$0x9950]  }
0x1a9: {  	v10 =	vsel vm12, v13, v38;
	v13 =	vld [tilespmem:$0x9B50]  }
0x1aa: {  	v38 =	vld [tilespmem:$0x94D0]  }
0x1ab: {  	vm1 =	vgt.s32 v11, v36;
	v5 =	vadd.s32 v18, v5;
	v18 =	vld [tilespmem:$0x97C0]  }
0x1ac: {  	v11 =	vsel vm1, v11, v36;
	v36 =	vld [tilespmem:$0x9450]  }
0x1ad: {  	vm0 =	vgt.s32 v10, v49;
	v5 =	vadd.s32 v19, v5;
	v19 =	vld [tilespmem:$0x1FC60]  }
0x1ae: {  	v10 =	vsel vm0, v10, v49;
	v49 =	vld [tilespmem:$0x1FCF0]  }
0x1af: {  	vm1 =	vgt.s32 v11, v39;
	v5 =	vadd.s32 v21, v5;
	v21 =	vld [tilespmem:$0x1FC80]  }
0x1b0: {  	v11 =	vsel vm1, v11, v39;
	v39 =	vld [tilespmem:$0x9550]  }
0x1b1: {  	vm0 =	vgt.s32 v10, v52;
	v5 =	vadd.s32 v23, v5;
	v23 =	vld [tilespmem:$0x1FC90]  }
0x1b2: {  	v10 =	vsel vm0, v10, v52;
	v52 =	vld [tilespmem:$0x1FD10]  }
0x1b3: {  	vm1 =	vgt.s32 v11, v50;
	v5 =	vadd.s32 v25, v5;
	v25 =	vld [tilespmem:$0x92D0]  }
0x1b4: {  	v35 =	vsel vm1, v11, v50;
	v11 =	vld [tilespmem:$0x9C50]  }
0x1b5: {  	v50 =	vld [tilespmem:$0x1FD00]  }
0x1b6: {  	vm0 =	vgt.s32 v10, v54;
	v5 =	vadd.s32 v26, v5;
	v26 =	vld [tilespmem:$0x1FCB0]  }
0x1b7: {  	v10 =	vsel vm0, v10, v54;
	v5 =	vadd.s32 v33, v5;
	v33 =	vld [tilespmem:$0x9150]  }
0x1b8: {  	vm1 =	vgt.s32 v35, v53;
	vm0 =	vgt.s32 v10, v60;
	v5 =	vadd.s32 v47, v5;
	v47 =	vld [tilespmem:$0x1FCE0]  }
0x1b9: {  	v10 =	vsel vm0, v10, v60;
	v5 =	vadd.s32 v12, v5;
	v12 =	vsel vm1, v35, v53;
	v53 =	vld [tilespmem:$0x1FD20]  }
0x1ba: {  	vm0 =	vgt.s32 v10, v57;
	v5 =	vadd.s32 v14, v5;
	v14 =	vld [tilespmem:$0x9A50]  }
0x1bb: {  	v10 =	vsel vm0, v10, v57;
	v57 =	vld [tilespmem:$0x1FD40]  }
0x1bc: {  	vm1 =	vgt.s32 v12, v55;
	[tilespmem:$0x1FFF0] =	vst v5;
	v5 =	vld [tilespmem:$0x1FC40]  }
0x1bd: {  	v54 =	vsel vm1, v12, v55;
	v55 =	vld [tilespmem:$0x1FD30]  }
0x1be: {  	vm0 =	vgt.s32 v10, v52;
	v12 =	vld [tilespmem:$0x9D50]  }
0x1bf: {  	v10 =	vsel vm0, v10, v52;
	vm1 =	vgt.s32 v54, v61;
	v52 =	vld [tilespmem:$0x1FDC0]  }
0x1c0: {  	v60 =	vsel vm1, v54, v61;
	v61 =	vld [tilespmem:$0x1FD50]  }
0x1c1: {  	v54 =	vld [tilespmem:$0x1FDD0];
	vm0 =	vgt.s32 v10, v57  }
0x1c2: {  	v5 =	vadd.s32 v5, v15;
	v10 =	vsel vm0, v10, v57;
	v57 =	vld [tilespmem:$0x1FDF0]  }
0x1c3: {  	v5 =	vadd.s32 v19, v5;
	v19 =	vld [tilespmem:$0x9ED0]  }
0x1c4: {  	v5 =	vadd.s32 v20, v5;
	v20 =	vld [tilespmem:$0x93D0]  }
0x1c5: {  	v5 =	vadd.s32 v21, v5;
	v21 =	vld [tilespmem:$0x1FD60]  }
0x1c6: {  	v5 =	vadd.s32 v23, v5;
	v23 =	vld [tilespmem:$0x9CD0]  }
0x1c7: {  	v5 =	vadd.s32 v24, v5;
	v24 =	vld [tilespmem:$0x1FD70]  }
0x1c8: {  	vm14 =	vgt.s32 v60, v58;
	v5 =	vadd.s32 v26, v5;
	v26 =	vld [tilespmem:$0x1FD90]  }
0x1c9: {  	v5 =	vadd.s32 v31, v5;
	v31 =	vsel vm14, v60, v58;
	v58 =	vld [tilespmem:$0x1FE00]  }
0x1ca: {  	vm5 =	vgt.s32 v40, v42;
	v5 =	vadd.s32 v32, v5;
	v32 =	vld [tilespmem:$0x1FDA0]  }
0x1cb: {  	v15 =	vadd.s32 v61, v21;
	v21 =	vsel vm5, v40, v42;
	v40 =	vld [tilespmem:$0x9750]  }
0x1cc: {  	v61 =	vld [tilespmem:$0x1FE10]  }
0x1cd: {  	v42 =	vld [tilespmem:$0x1FE20];
	v5 =	vadd.s32 v47, v5  }
0x1ce: {  	v47 =	vld [tilespmem:$0x95D0];
	v5 =	vadd.s32 v49, v5  }
0x1cf: {  	v5 =	vadd.s32 v50, v5;
	v50 =	vld [tilespmem:$0x1FDB0]  }
0x1d0: {  	v49 =	vld [tilespmem:$0x9650];
	v5 =	vadd.s32 v53, v5  }
0x1d1: {  	v5 =	vadd.s32 v55, v5;
	v55 =	vld [tilespmem:$0x1FDE0]  }
0x1d2: {  	vm7 =	vgt.s32 v21, v44;
	v35 =	vadd.s32 v24, v5;
	v5 =	vld [tilespmem:$0x1FD80]  }
0x1d3: {  	v60 =	vsel vm7, v21, v44;
	v21 =	vld [tilespmem:$0x9F50]  }
0x1d4: {  	v44 =	vld [tilespmem:$0x1FE30];
	vm4 =	vgt.s32 v31, v50  }
0x1d5: {  	v53 =	vsel vm4, v31, v50;
	v31 =	vld [tilespmem:$0x9FD0]  }
0x1d6: {  	v50 =	vld [tilespmem:$0x1FE50]  }
0x1d7: {  	vm6 =	vgt.s32 v53, v55;
	v5 =	vadd.s32 v5, v15;
	v15 =	vld [tilespmem:$0x9DD0]  }
0x1d8: {  	vm9 =	vgt.s32 v60, v48;
	v24 =	vsel vm6, v53, v55;
	v55 =	vld [tilespmem:$0x1FE80]  }
0x1d9: {  	v5 =	vadd.s32 v26, v5;
	v26 =	vsel vm9, v60, v48;
	v48 =	vld [tilespmem:$0x1FE40]  }
0x1da: {  	vm8 =	vgt.s32 v24, v61;
	v60 =	vld [tilespmem:$0x1FEB0]  }
0x1db: {  	v5 =	vadd.s32 v32, v5;
	v24 =	vsel vm8, v24, v61;
	v61 =	vld [tilespmem:$0x1FEC0]  }
0x1dc: {  	vm11 =	vgt.s32 v26, v62;
	v5 =	vadd.s32 v52, v5;
	v52 =	vld [tilespmem:$0x1FE60]  }
0x1dd: {  	v53 =	vsel vm11, v26, v62;
	v26 =	vld [tilespmem:$0x9860]  }
0x1de: {  	v62 =	vld [tilespmem:$0x1FED0]  }
0x1df: {  	v5 =	vadd.s32 v54, v5;
	v54 =	vld [tilespmem:$0x1FE70]  }
0x1e0: {  	vm13 =	vgt.s32 v53, v63;
	v5 =	vadd.s32 v57, v5;
	v57 =	vld [tilespmem:$0x1FE90]  }
0x1e1: {  	v32 =	vsel vm13, v53, v63;
	v53 =	vld [tilespmem:$0x9160]  }
0x1e2: {  	vm14 =	vgt.s32 v4, v30;
	v63 =	vld [tilespmem:$0x1FEE0]  }
0x1e3: {  	v5 =	vadd.s32 v58, v5;
	v58 =	vsel vm14, v4, v30;
	v4 =	vld [tilespmem:$0x1FEA0]  }
0x1e4: {  	v30 =	vld [tilespmem:$0x9960]  }
0x1e5: {  	vm10 =	vgt.s32 v24, v48;
	v5 =	vadd.s32 v42, v5;
	v42 =	vld [tilespmem:$0x97D0]  }
0x1e6: {  	vm4 =	vgt.s32 v32, v45;
	v24 =	vsel vm10, v24, v48;
	v48 =	vld [tilespmem:$0x90E0]  }
0x1e7: {  	v32 =	vsel vm4, v32, v45;
	v45 =	vld [tilespmem:$0x91E0]  }
0x1e8: {  	vm5 =	vgt.s32 v58, v33;
	v5 =	vadd.s32 v44, v5;
	v44 =	vld [tilespmem:$0x9060]  }
0x1e9: {  	v33 =	vsel vm5, v58, v33;
	vm6 =	vgt.s32 v32, v43;
	v58 =	vld [tilespmem:$0x1FF10]  }
0x1ea: {  	v5 =	vadd.s32 v50, v5;
	v43 =	vsel vm6, v32, v43;
	v32 =	vld [tilespmem:$0x99E0]  }
0x1eb: {  	vm7 =	vgt.s32 v33, v29;
	v5 =	vadd.s32 v52, v5;
	v52 =	vld [tilespmem:$0x9260]  }
0x1ec: {  	vm12 =	vgt.s32 v24, v54;
	v33 =	vsel vm7, v33, v29;
	v29 =	vld [tilespmem:$0x9A60]  }
0x1ed: {  	v24 =	vsel vm12, v24, v54;
	v54 =	vld [tilespmem:$0x9B60]  }
0x1ee: {  	v5 =	vadd.s32 v55, v5;
	v55 =	vld [tilespmem:$0x1FEF0]  }
0x1ef: {  	v50 =	vadd.s32 v57, v5;
	v5 =	vld [tilespmem:$0x98E0]  }
0x1f0: {  	vm9 =	vgt.s32 v33, v22;
	v57 =	vld [tilespmem:$0x1FF00]  }
0x1f1: {  	vm15 =	vgt.s32 v24, v4;
	v33 =	vsel vm9, v33, v22;
	v22 =	vld [tilespmem:$0x9AE0]  }
0x1f2: {  	vm8 =	vgt.s32 v43, v8;
	v4 =	vsel vm15, v24, v4;
	v24 =	vadd.s32 v60, v50;
	v60 =	vld [tilespmem:$0x1FF20]  }
0x1f3: {  	v8 =	vsel vm8, v43, v8;
	v50 =	vadd.s32 v61, v62;
	v61 =	vld [tilespmem:$0x1FF30]  }
0x1f4: {  	vm14 =	vgt.s32 v46, $0x0;
	vm10 =	vgt.s32 v8, v41;
	v62 =	vld [tilespmem:$0x1FF40]  }
0x1f5: {  	v8 =	vsel vm10, v8, v41;
	vm11 =	vgt.s32 v33, v25;
	v50 =	vadd.s32 v63, v50;
	v63 =	vld [tilespmem:$0x1FF50]  }
0x1f6: {  	[tilespmem:$0xA000] =	vst v46;
	v25 =	vsel vm11, v33, v25;
	vm12 =	vgt.s32 v8, v56;
	v33 =	vnsel vm14, $0x0, v46;
	v46 =	vld [tilespmem:$0x9C70]  }
0x1f7: {  	v8 =	vsel vm12, v8, v56;
	vm13 =	vgt.s32 v25, v34;
	v56 =	vld [tilespmem:$0x9460]  }
0x1f8: {  	v25 =	vsel vm13, v25, v34;
	v34 =	vld [tilespmem:$0x93E0]  }
0x1f9: {  	v50 =	vadd.s32 v55, v50;
	v55 =	vld [tilespmem:$0x9BE0]  }
0x1fa: {  	v43 =	vadd.s32 v57, v50;
	v50 =	vld [tilespmem:$0x92E0]  }
0x1fb: {  	vm15 =	vgt.s32 v8, v28;
	v57 =	vld [tilespmem:$0x9C60]  }
0x1fc: {  	v8 =	vsel vm15, v8, v28;
	v43 =	vadd.s32 v58, v43;
	v58 =	vld [tilespmem:$0x1FF60]  }
0x1fd: {  	vm4 =	vgt.s32 v25, v20;
	vm5 =	vgt.s32 v8, v59;
	v41 =	vadd.s32 v60, v43;
	v43 =	vld [tilespmem:$0x9360]  }
0x1fe: {  	v20 =	vsel vm4, v25, v20;
	v8 =	vsel vm5, v8, v59;
	v59 =	vld [tilespmem:$0x1FF70]  }
0x1ff: {  	vm7 =	vgt.s32 v20, v36;
	v60 =	vld [tilespmem:$0x1FF80]  }
0x200: {  	v20 =	vsel vm7, v20, v36;
	vm8 =	vgt.s32 v8, v6;
	v36 =	vld [tilespmem:$0x94E0]  }
0x201: {  	v41 =	vadd.s32 v61, v41;
	v6 =	vsel vm8, v8, v6;
	v8 =	vld [tilespmem:$0x9CE0]  }
0x202: {  	v5 =	vadd.s32 v26, v5;
	v41 =	vadd.s32 v62, v41;
	v62 =	vld [tilespmem:$0x1FF90]  }
0x203: {  	vm12 =	vgt.s32 v44, v48;
	v5 =	vadd.s32 v30, v5;
	v25 =	vadd.s32 v63, v41;
	v41 =	vld [tilespmem:$0x9560]  }
0x204: {  	v5 =	vadd.s32 v32, v5;
	v63 =	vsel vm12, v44, v48;
	v44 =	vld [tilespmem:$0x9DE0]  }
0x205: {  	v5 =	vadd.s32 v29, v5;
	vm9 =	vgt.s32 v20, v38;
	vm10 =	vgt.s32 v6, v18;
	v48 =	vld [tilespmem:$0x9660]  }
0x206: {  	v5 =	vadd.s32 v22, v5;
	v38 =	vsel vm9, v20, v38;
	v20 =	vsel vm10, v6, v18;
	v18 =	vld [tilespmem:$0x9D60]  }
0x207: {  	v5 =	vadd.s32 v54, v5;
	v25 =	vadd.s32 v58, v25;
	v58 =	vld [tilespmem:$0x1FFA0]  }
0x208: {  	vm11 =	vgt.s32 v38, v39;
	v5 =	vadd.s32 v55, v5;
	v55 =	vld [tilespmem:$0x9E70]  }
0x209: {  	v61 =	vsel vm11, v38, v39;
	v38 =	vld [tilespmem:$0x95E0]  }
0x20a: {  	v25 =	vadd.s32 v59, v25;
	v59 =	vld [tilespmem:$0x1FFB0]  }
0x20b: {  	v39 =	vld [tilespmem:$0x9E60];
	vm13 =	vgt.s32 v61, v47  }
0x20c: {  	v6 =	vadd.s32 v60, v25;
	v47 =	vsel vm13, v61, v47;
	v61 =	vld [tilespmem:$0x1FFC0]  }
0x20d: {  	vm14 =	vgt.s32 v63, v53;
	v6 =	vadd.s32 v62, v6;
	v62 =	vld [tilespmem:$0x1FFD0]  }
0x20e: {  	v60 =	vsel vm14, v63, v53;
	v63 =	vld [tilespmem:$0x9070];
	vm15 =	vgt.s32 v47, v49  }
0x20f: {  	vm6 =	vgt.s32 v9, $0x0;
	v33 =	vmin.u32 v33, $0xFFFFF;
	v47 =	vsel vm15, v47, v49;
	v49 =	vld [tilespmem:$0x96E0]  }
0x210: {  	v28 =	vnsel vm6, $0x0, v9;
	vm4 =	vgt.s32 v60, v45;
	v6 =	vadd.s32 v58, v6;
	v58 =	vld [tilespmem:$0x90F0]  }
0x211: {  	v5 =	vadd.s32 v57, v5;
	v25 =	vadd.s32 v59, v6;
	v6 =	vsel vm4, v60, v45;
	v59 =	vld [tilespmem:$0x9170]  }
0x212: {  	v5 =	vadd.s32 v8, v5;
	vm6 =	vgt.s32 v6, v52;
	v53 =	vadd.s32 v61, v62;
	v61 =	vld [tilespmem:$0x91F0]  }
0x213: {  	v5 =	vadd.s32 v18, v5;
	vm5 =	vgt.s32 v47, v37;
	v6 =	vsel vm6, v6, v52;
	v52 =	vld [tilespmem:$0x93F0]  }
0x214: {  	v5 =	vadd.s32 v44, v5;
	v16 =	vadd.s32 v16, v53;
	v53 =	vsel vm5, v47, v37;
	v47 =	vld [tilespmem:$0x92F0]  }
0x215: {  	vm8 =	vgt.s32 v6, v50;
	v37 =	vld [tilespmem:$0x95F0];
	v7 =	vadd.s32 v7, v16;
	vm7 =	vgt.s32 v53, v40  }
0x216: {  	v60 =	vsel vm8, v6, v50;
	vm11 =	vgt.s32 v63, v58;
	v50 =	vld [tilespmem:$0x9370];
	v7 =	vadd.s32 v14, v7  }
0x217: {  	v14 =	vld [tilespmem:$0x9EE0];
	v16 =	vsel vm7, v53, v40;
	vm10 =	vgt.s32 v60, v43;
	v7 =	vadd.s32 v27, v7  }
0x218: {  	v40 =	vld [tilespmem:$0x9760];
	v63 =	vsel vm11, v63, v58;
	vm9 =	vgt.s32 v16, v42;
	v7 =	vadd.s32 v13, v7  }
0x219: {  	v62 =	vsel vm10, v60, v43;
	v6 =	vsel vm9, v16, v42;
	v42 =	vld [tilespmem:$0x9270];
	v7 =	vadd.s32 v51, v7  }
0x21a: {  	v53 =	vld [tilespmem:$0x98F0];
	vm13 =	vgt.s32 v63, v59;
	vm12 =	vgt.s32 v62, v34;
	v7 =	vadd.s32 v11, v7  }
0x21b: {  	v13 =	vld [tilespmem:$0x9F60];
	v45 =	vsel vm13, v63, v59;
	v11 =	vsel vm12, v62, v34;
	v7 =	vadd.s32 v23, v7  }
0x21c: {  	v58 =	vld [tilespmem:$0x9970];
	vm15 =	vgt.s32 v45, v61;
	vm14 =	vgt.s32 v11, v56;
	v7 =	vadd.s32 v12, v7  }
0x21d: {  	v43 =	vld [tilespmem:$0x97E0];
	v11 =	vsel vm14, v11, v56;
	v7 =	vadd.s32 v15, v7;
	v15 =	vsel vm15, v45, v61  }
0x21e: {  	v5 =	vadd.s32 v39, v5;
	v60 =	vld [tilespmem:$0x99F0];
	vm4 =	vgt.s32 v11, v36;
	vm5 =	vgt.s32 v15, v42  }
0x21f: {  	v51 =	vld [tilespmem:$0x9870];
	v5 =	vadd.s32 v14, v5;
	v11 =	vsel vm4, v11, v36;
	v15 =	vsel vm5, v15, v42  }
0x220: {  	v59 =	vld [tilespmem:$0x94F0];
	v5 =	vadd.s32 v13, v5;
	vm6 =	vgt.s32 v11, v41;
	vm7 =	vgt.s32 v15, v47  }
0x221: {  	v56 =	vld [tilespmem:$0x9470];
	v7 =	vadd.s32 v17, v7;
	v11 =	vsel vm6, v11, v41;
	v15 =	vsel vm7, v15, v47  }
0x222: {  	v63 =	vld [tilespmem:$0x1FFE0];
	v7 =	vadd.s32 v19, v7;
	vm8 =	vgt.s32 v11, v38;
	vm9 =	vgt.s32 v15, v50  }
0x223: {  	v62 =	vld [tilespmem:$0x9A70];
	v42 =	vmin.u32 v28, $0xFFFFF;
	v11 =	vsel vm8, v11, v38;
	v15 =	vsel vm9, v15, v50  }
0x224: {  	[tilespmem:$0xA010] =	vst v9;
	v34 =	vld [tilespmem:$0x9AF0];
	v19 =	vadd.s32 v51, v53;
	vm10 =	vgt.s32 v11, v48;
	vm11 =	vgt.s32 v15, v52  }
0x225: {  	[tilespmem:$0xA020] =	vst v10;
	v61 =	vld [tilespmem:$0x9570];
	v7 =	vadd.s32 v21, v7;
	v11 =	vsel vm10, v11, v48;
	v15 =	vsel vm11, v15, v52  }
0x226: {  	[tilespmem:$0xA0A0] =	vst v35;
	v45 =	vld [tilespmem:$0x9670];
	vm6 =	vgt.s32 v10, $0x0;
	vm12 =	vgt.s32 v11, v49;
	vm13 =	vgt.s32 v15, v56  }
0x227: {  	[tilespmem:$0xA030] =	vst v4;
	v17 =	vld [tilespmem:$0x9FE0];
	v7 =	vadd.s32 v31, v7;
	v11 =	vsel vm12, v11, v49;
	v15 =	vsel vm13, v15, v56  }
0x228: {  	[tilespmem:$0xA0B0] =	vst v24;
	v53 =	vld [tilespmem:$0x9770];
	v10 =	vnsel vm6, $0x0, v10;
	vm14 =	vgt.s32 v11, v40;
	vm15 =	vgt.s32 v15, v59  }
0x229: {  	[tilespmem:$0xA100] =	vst v33;
	v41 =	vld [tilespmem:$0x1FFF0];
	v10 =	vmin.u32 v10, $0xFFFFF;
	v36 =	vsel vm14, v11, v40;
	v38 =	vsel vm15, v15, v59  }
0x22a: {  	[tilespmem:$0xA040] =	vst v20;
	vm8 =	vgt.s32 v4, $0x0;
	v40 =	vld [tilespmem:$0x9B70];
	vm4 =	vgt.s32 v36, v43;
	vm5 =	vgt.s32 v38, v61  }
0x22b: {  	[tilespmem:$0xA0C0] =	vst v25;
	v48 =	vadd.s32 v58, v19;
	v8 =	vsel vm4, v36, v43;
	v43 =	vld [tilespmem:$0x9BF0];
	v9 =	vsel vm5, v38, v61  }
0x22c: {  	[tilespmem:$0xA120] =	vst v10;
	v4 =	vnsel vm8, $0x0, v4;
	v10 =	vadd.s32 v60, v48;
	v49 =	vld [tilespmem:$0x96F0];
	vm7 =	vgt.s32 v9, v37  }
0x22d: {  	[tilespmem:$0xA050] =	vst v6;
	v47 =	vld [tilespmem:$0x9CF0];
	v4 =	vmin.u32 v4, $0xFFFFF;
	v10 =	vadd.s32 v62, v10;
	v9 =	vsel vm7, v9, v37  }
0x22e: {  	[tilespmem:$0xA080] =	vst v63;
	v50 =	vld [tilespmem:$0x9D70];
	vm10 =	vgt.s32 v20, $0x0;
	v52 =	vadd.s32 v34, v10;
	vm9 =	vgt.s32 v9, v45  }
0x22f: {  	v51 =	vld [tilespmem:$0x9DF0];
	[tilespmem:$0xA130] =	vst v4;
	v54 =	vnsel vm10, $0x0, v20;
	v4 =	vsel vm9, v9, v45;
	v9 =	vadd.s32 v40, v52  }
0x230: {  	[tilespmem:$0xA110] =	vst v42;
	v5 =	vadd.s32 v17, v5;
	v13 =	vmin.u32 v54, $0xFFFFF;
	v56 =	vld [tilespmem:$0x97F0];
	v9 =	vadd.s32 v43, v9  }
0x231: {  	v57 =	vld [tilespmem:$0x9EF0];
	[tilespmem:$0xA0D0] =	vst v7;
	vm12 =	vgt.s32 v6, $0x0;
	vm11 =	vgt.s32 v4, v49;
	v9 =	vadd.s32 v46, v9  }
0x232: {  	v58 =	vld [tilespmem:$0x9F70];
	[tilespmem:$0xA0E0] =	vst v5;
	v6 =	vnsel vm12, $0x0, v6;
	v4 =	vsel vm11, v4, v49;
	v9 =	vadd.s32 v47, v9  }
0x233: {  	[tilespmem:$0xA090] =	vst v41;
	v60 =	vld [tilespmem:$0x9FF0];
	v6 =	vmin.u32 v6, $0xFFFFF;
	vm13 =	vgt.s32 v4, v53;
	v59 =	vadd.s32 v50, v9  }
0x234: {  	[tilespmem:$0xA140] =	vst v13;
	vm14 =	vgt.s32 v8, $0x0;
	v4 =	vsel vm13, v4, v53;
	v61 =	vadd.s32 v51, v59  }
0x235: {  	[tilespmem:$0xA150] =	vst v6;
	v62 =	vnsel vm14, $0x0, v8;
	vm15 =	vgt.s32 v4, v56;
	v6 =	vadd.s32 v55, v61  }
0x236: {  	[tilespmem:$0xA060] =	vst v8;
	v63 =	vmin.u32 v62, $0xFFFFF;
	v4 =	vsel vm15, v4, v56;
	v5 =	vadd.s32 v57, v6  }
0x237: {  	[tilespmem:$0xA160] =	vst v63;
	vm0 =	vgt.s32 v4, $0x0;
	v5 =	vadd.s32 v58, v5  }
0x238: {  	[tilespmem:$0xA070] =	vst v4;
	v4 =	vnsel vm0, $0x0, v4;
	v5 =	vadd.s32 v60, v5  }
0x239: {  	v4 =	vmin.u32 v4, $0xFFFFF;
	[tilespmem:$0xA0F0] =	vst v5  }
0x23a: {  	[tilespmem:$0xA170] =	vst v4  }
0x23b: {  	[tilespmem:s23], [sflag:$0x1] =	stream.indirect.gather [hbm4b:s1+s16], $0x1, s22, s16, $0xb8;
	[tilespmem:$0xA200] =	vst v63  }
0x23c: {  	_ =	swait.ge [sflag:s13], $0x80  }
0x23d: {  	[sflag:s13] =	ssyncset.done $0x0  }
0x23e: {  	[sflag:s13] =	ssyncadd.s32 $0xFFFFFF80  }
0x23f: {  	[hbm4b:s9+s3] =	stream.linear.scatter [tilespmem:s24], [sflag:$0x2], $0x80, $0x38;
	[tilespmem:$0xA200] =	vst v63  }
0x240: {  	_ =	swait.ge [sflag:s18], $0x80  }
0x241: {  	[sflag:s18] =	ssyncset.done $0x0  }
0x242: {  	[sflag:s18] =	ssyncadd.s32 $0xFFFFFF80  }
0x243: {  	[hbm4b:s10+s3] =	stream.linear.scatter [tilespmem:s25], [sflag:$0x2], $0x80, $0x38;
	[tilespmem:$0xA200] =	vst v63  }
0x244: {  	_ =	swait.ge [sflag:s18], $0x80  }
0x245: {  	[sflag:s18] =	ssyncset.done $0x0  }
.Ltmp4:
0x246: {  	[sflag:s18] =	ssyncadd.s32 $0xFFFFFF80;
	(pc) =	sbr.rel .LBB2_5-.Ltmp4, $4  }
0x247: {  	[hbm4b:s11+s3] =	stream.linear.scatter [tilespmem:s23], [sflag:$0x2], $0x80, $0x38;
	[tilespmem:$0xA200] =	vst v63  }
0x248: {  	_ =	swait.ge [sflag:s18], $0x80  }
0x249: {  	[sflag:s18] =	ssyncset.done $0x0  }
0x24a: {  	[sflag:s18] =	ssyncadd.s32 $0xFFFFFF80  }
.LBB2_6:
0x24b: {  	_ =	sfence.sel $0x180000  }
0x24c: {  	[bflag:$0x0] =	sbarrier.arrive $0xFFFF  }
0x24d: {  	p0 =	sne.s32 s2, $0x0;
	_ =	strace $0x90000047  }
0x24e: {  	s0 =	sadd.s32 @!p0 $0x100000, s0;
	[bflag:$0x2] =	sbarrier.arrive $0xFFFF  }
0x24f: {  	[sflag:s0] =	ssyncadd.tile.s32 @!p0 $0x1;
	_ =	shalt  }
.Lfunc_end2:
_tile_overlayer_lowered:
.L_overlay_start_2:
0x250: {  	(tag) =	ssettag $0x2  }
0x251: {  	s0 =	rddreg [dreg:$0x0];
	s2 =	stileid.u32  }
0x252: {  	s1 =	rddreg [dreg:$0x1];
	p0 =	sne.s32 s2, $0x0  }
0x253: {  	s3 =	rddreg [dreg:$0x2];
	[bflag:$0x3] =	sbarrier.arrive $0xFFFF;
	s2 =	simm.s32 @!p0 $0x1C02  }
0x254: {  	[timem:s3], [sflag:s2] =	dma.local @!p0 [hbm:s0], s1  }
0x255: {  	s0 =	simm.s32 @!p0 $0x2  }
0x256: {  	_ =	swait.ge @!p0 [sflag:s0], s1  }
0x257: {  	s1 =	ssub.s32 @!p0 $0x0, s1;
	[sflag:s0] =	ssyncset.done @!p0 $0x0  }
0x258: {  	[sflag:s0] =	ssyncadd.s32 @!p0 s1  }
0x259: {  	[bflag:$0x3] =	sbarrier.arrive $0xFFFF  }
0x25a: {  	_ =	shalt  }

</sc_bundles>
